<compile_context>
chip_gen: v7x
topology: tpu7x:2x2x1
jax: 0.10.2.dev20260603
libtpu: 0.0.44.dev20260713+nightly
codegen_flags: <defaults>
</compile_context>

<pallas_src>
import functools

import jax
import jax.numpy as jnp
from jax import lax
from jax.experimental import pallas as pl
from jax.experimental.pallas import tpu as pltpu
from jax.experimental.pallas import tpu_sc as plsc

VOCAB = 1000000
D = 16
BATCH = 16384
SEQ = 200

VMAIN = 999936
W1 = 1536
NCH1 = VMAIN // W1
RB1 = W1 * D // 128
EXTRA1 = NCH1 - 32 * (NCH1 // 32)

NUNIT = (BATCH // 128) * (SEQ // 8)
UPT = NUNIT // 32
NPAIR = UPT // 2


def _mesh():
    return plsc.VectorSubcoreMesh(core_axis_name="c", subcore_axis_name="s")


def _transpose_call(tab_t, tail_lin):
    @functools.partial(
        pl.kernel,
        mesh=_mesh(),
        out_type=jax.ShapeDtypeStruct((125000, 128), jnp.float32),
        scratch_types=[
            pltpu.VMEM((16, W1 + 1), jnp.float32),
            pltpu.VMEM((16, W1 + 1), jnp.float32),
            pltpu.VMEM((RB1, 128), jnp.float32),
            pltpu.VMEM((RB1, 128), jnp.float32),
            pltpu.VMEM((8, 128), jnp.float32),
            pltpu.SemaphoreType.DMA,
            pltpu.SemaphoreType.DMA,
            pltpu.SemaphoreType.DMA,
            pltpu.SemaphoreType.DMA,
        ],
        compiler_params=pltpu.CompilerParams(
            use_tc_tiling_on_sc=True, needs_layout_passes=False),
    )
    def k(tab_hbm, tail_hbm, out_hbm, in0, in1, ob0, ob1, tbuf,
          si0, si1, so0, so1):
        wid = lax.axis_index("s") * 2 + lax.axis_index("c")
        n = jnp.where(wid < EXTRA1, NCH1 // 32 + 1, NCH1 // 32)
        iota = lax.iota(jnp.int32, 16)

        def in_descs(c, buf, sem):
            off = c * W1
            d1 = pltpu.make_async_copy(
                tab_hbm.at[pl.ds(0, 8), pl.ds(off, W1)],
                buf.at[pl.ds(0, 8), pl.ds(0, W1)], sem)
            d2 = pltpu.make_async_copy(
                tab_hbm.at[pl.ds(8, 8), pl.ds(off, W1)],
                buf.at[pl.ds(8, 8), pl.ds(0, W1)], sem)
            return d1, d2

        def start_in(c, buf, sem):
            d1, d2 = in_descs(c, buf, sem)
            d1.start()
            d2.start()

        def wait_in(c, buf, sem):
            d1, d2 = in_descs(c, buf, sem)
            d1.wait()
            d2.wait()

        def transpose_chunk(buf, ob):
            @plsc.parallel_loop(0, W1, unroll=16,
                                carry=jnp.zeros((16,), jnp.int32))
            def _(v, colv):
                val = plsc.load_gather(buf, [iota, colv])
                ob[v >> 3, pl.ds((v & 7) * 16, 16)] = val
                return colv + 1

        def out_desc(c, ob, sem):
            return pltpu.make_async_copy(
                ob, out_hbm.at[pl.ds(c * RB1, RB1)], sem)

        def do_chunk(i, c, buf, ob, sem_o):
            wait_in(c, buf, si0 if buf is in0 else si1)
            @pl.when(i >= 2)
            def _():
                out_desc(0, ob, sem_o).wait()
            transpose_chunk(buf, ob)
            out_desc(c, ob, sem_o).start()

        start_in(wid, in0, si0)

        def body(g, _):
            i0, i1 = 2 * g, 2 * g + 1
            c0 = wid + 32 * i0
            c1 = wid + 32 * i1

            @pl.when(i1 < n)
            def _():
                start_in(c1, in1, si1)

            @pl.when(i0 < n)
            def _():
                do_chunk(i0, c0, in0, ob0, so0)

            @pl.when(i0 + 2 < n)
            def _():
                start_in(c0 + 64, in0, si0)

            @pl.when(i1 < n)
            def _():
                do_chunk(i1, c1, in1, ob1, so1)
            return 0

        lax.fori_loop(0, (NCH1 // 32 + 2) // 2, body, 0)
        out_desc(0, ob0, so0).wait()
        out_desc(0, ob1, so1).wait()

        @pl.when(wid == 31)
        def _():
            pltpu.sync_copy(tail_hbm, tbuf)
            pltpu.sync_copy(tbuf, out_hbm.at[pl.ds(VMAIN * D // 128, 8)])

    return k(tab_t, tail_lin)


def _gather_call(x4, tbl_rm):
    @functools.partial(
        pl.kernel,
        mesh=_mesh(),
        out_type=jax.ShapeDtypeStruct((200, 2, 128, 8, 128), jnp.float32),
        scratch_types=[
            pltpu.VMEM((1024,), jnp.int32),
            pltpu.VMEM((1024,), jnp.int32),
            pltpu.VMEM((1024, 16), jnp.float32),
            pltpu.VMEM((1024, 16), jnp.float32),
            pltpu.VMEM((8, 2, 1, 8, 129), jnp.float32),
            pltpu.VMEM((8, 2, 1, 8, 129), jnp.float32),
            pltpu.SemaphoreType.DMA,
            pltpu.SemaphoreType.DMA,
            pltpu.SemaphoreType.DMA,
            pltpu.SemaphoreType.DMA,
            pltpu.SemaphoreType.DMA,
            pltpu.SemaphoreType.DMA,
        ],
        compiler_params=pltpu.CompilerParams(
            use_tc_tiling_on_sc=False, needs_layout_passes=False),
    )
    def k(x4_hbm, tbl_hbm, out_hbm, ix0, ix1, rw0, rw1, tr0, tr1,
          sg0, sg1, ss0, ss1, sx0, sx1):
        wid = lax.axis_index("s") * 2 + lax.axis_index("c")
        iota = lax.iota(jnp.int32, 16)

        def idx_desc(u, ix, sx):
            unit = u * 32 + wid
            st = unit >> 7
            bt = unit & 127
            return pltpu.make_async_copy(x4_hbm.at[st, bt], ix, sx)

        def fire_gather(ix, rw, sg):
            pltpu.make_async_copy(tbl_hbm.at[ix], rw, sg).start()

        def wait_gather(ix, rw, sg):
            pltpu.make_async_copy(tbl_hbm.at[ix], rw, sg).wait()

        e8 = iota >> 3
        em = iota & 7
        zero16 = jnp.zeros((16,), jnp.int32)

        def transpose_unit(rw, tr):
            for sr in range(8):
                srv = jnp.full((16,), sr, jnp.int32)

                @plsc.parallel_loop(0, 128, unroll=8,
                                    carry=jnp.zeros((16,), jnp.int32))
                def _(bc, bcv):
                    val = rw[sr * 128 + bc, :]
                    plsc.store_scatter(tr, [srv, e8, zero16, em, bcv], val)
                    return bcv + 1

        def fire_stores(u, tr, ss):
            unit = u * 32 + wid
            st = unit >> 7
            bt = unit & 127
            pltpu.make_async_copy(
                tr.at[:, :, :, :, pl.ds(0, 128)],
                out_hbm.at[pl.ds(st * 8, 8), :, pl.ds(bt, 1)],
                ss).start()

        def drain_stores(rw, ss):
            pltpu.make_async_copy(tbl_hbm.at[pl.ds(0, 1024)], rw, ss).wait()

        def stage_and_fire(u, ix, rw, sg, sx):
            idx_desc(u, ix, sx).start()
            idx_desc(u, ix, sx).wait()
            fire_gather(ix, rw, sg)

        stage_and_fire(0, ix0, rw0, sg0, sx0)

        def body(g, _):
            u0, u1 = 2 * g, 2 * g + 1
            stage_and_fire(u1, ix1, rw1, sg1, sx1)
            wait_gather(ix0, rw0, sg0)

            @pl.when(g > 0)
            def _():
                drain_stores(rw1, ss0)
            transpose_unit(rw0, tr0)
            fire_stores(u0, tr0, ss0)

            @pl.when(g < NPAIR - 1)
            def _():
                stage_and_fire(u0 + 2, ix0, rw0, sg0, sx0)
            wait_gather(ix1, rw1, sg1)

            @pl.when(g > 0)
            def _():
                drain_stores(rw0, ss1)
            transpose_unit(rw1, tr1)
            fire_stores(u1, tr1, ss1)
            return 0

        lax.fori_loop(0, NPAIR, body, 0)
        drain_stores(rw0, ss0)
        drain_stores(rw1, ss1)

    return k(x4, tbl_rm)


def kernel(x, table):
    x = x.astype(jnp.int32)
    tab_t = table.T
    tail_lin = table[VMAIN:, :].reshape(8, 128)
    x4 = (x.T.reshape(25, 8, 128, 128)
          .transpose(0, 2, 1, 3).reshape(25, 128, 1024))
    tbl_lin = _transpose_call(tab_t, tail_lin)
    tbl_rm = tbl_lin.reshape(VOCAB, D)
    o5 = _gather_call(x4, tbl_rm)
    return o5.transpose(2, 4, 0, 1, 3).reshape(BATCH, SEQ, D)

# --- scband reference (transcript-rebuilt; emitter-appended) ---
"""Pipeline reference for scband-embedder-38431367364753 (READ-ONLY COPY).

The authoritative reference and input builder live on the scoring server;
editing this copy changes nothing except your own understanding.
"""

import jax, jax.numpy as jnp
import numpy as np

VOCAB = 1000000
EMBED_DIM = 16
BATCH = 16384
SEQ = 200

def setup_inputs(seed: int = 0) -> dict:
    key = jax.random.key(seed)
    k_tab, k_idx = jax.random.split(key)
    # pretrained (frozen) embedding table, per init_kwargs text_embedding_vectors[VOCAB, EMBED_DIM]
    table = jax.random.normal(k_tab, (VOCAB, EMBED_DIM), dtype=jnp.float32)
    x = jax.random.randint(k_idx, (BATCH, SEQ), 0, VOCAB, dtype=jnp.int64)
    return {"x": x, "table": table}

def reference(x, table):
    # nn.Embedding.from_pretrained lookup: gather rows of the table
    out = jnp.take(table, x, axis=0)  # [BATCH, SEQ, EMBED_DIM]
    # nn.Dropout is identity in eval mode (deterministic reference)
    return out

if __name__ == "__main__":
    import jax
    _d = setup_inputs()
    print(jax.jit(kernel)(*tuple(_d.values())))

</pallas_src>

<mosaic_0001>
#map = affine_map<(d0, d1) -> (0, 0, 0)>
#map1 = affine_map<(d0, d1) -> (0, 0)>
#map2 = affine_map<(d0, d1) -> (0, 0, 0, 0, 0)>
module attributes {stable_mosaic.version = 14 : i64} {
  func.func @k(%arg0: i32, %arg1: i32, %arg2: memref<25x128x1024xi32, #tpu.memory_space<hbm>>, %arg3: memref<1000000x16xf32, #tpu.memory_space<hbm>>, %arg4: memref<200x2x128x8x128xf32, #tpu.memory_space<hbm>>, %arg5: memref<1024xi32, #tpu.memory_space<vmem>>, %arg6: memref<1024xi32, #tpu.memory_space<vmem>>, %arg7: memref<1024x16xf32, #tpu.memory_space<vmem>>, %arg8: memref<1024x16xf32, #tpu.memory_space<vmem>>, %arg9: memref<8x2x1x8x129xf32, #tpu.memory_space<vmem>>, %arg10: memref<8x2x1x8x129xf32, #tpu.memory_space<vmem>>, %arg11: memref<!tpu.dma_semaphore, #tpu.memory_space<semaphore_mem>>, %arg12: memref<!tpu.dma_semaphore, #tpu.memory_space<semaphore_mem>>, %arg13: memref<!tpu.dma_semaphore, #tpu.memory_space<semaphore_mem>>, %arg14: memref<!tpu.dma_semaphore, #tpu.memory_space<semaphore_mem>>, %arg15: memref<!tpu.dma_semaphore, #tpu.memory_space<semaphore_mem>>, %arg16: memref<!tpu.dma_semaphore, #tpu.memory_space<semaphore_mem>>) attributes {dimension_semantics = [#tpu.dimension_semantics<core_parallel>, #tpu.dimension_semantics<subcore_parallel>], iteration_bounds = array<i64: 2, 16>, scalar_prefetch = 0 : i64, scratch_operands = 12 : i64, tpu.core_type = #tpu.core_type<sc_vector_subcore>, window_params = [{transform_indices = #map}, {transform_indices = #map1}, {transform_indices = #map2}]} {
    %mul3A = arith.constant 2 : i32
    %mul3A_0 = arith.muli %arg1, %mul3A : i32
    %add3A = arith.addi %mul3A_0, %arg0 : i32
    %iota3A = tpu.iota {dimensions = array<i32: 0>} : vector<16xi32>
    %shift_right_arithmetic3A = arith.constant 3 : i32
    %shift_right_arithmetic3A_1 = vector.broadcast %shift_right_arithmetic3A : i32 to vector<16xi32>
    %shift_right_arithmetic3A_2 = arith.shrsi %iota3A, %shift_right_arithmetic3A_1 : vector<16xi32>
    %and3A = arith.constant 7 : i32
    %and3A_3 = vector.broadcast %and3A : i32 to vector<16xi32>
    %and3A_4 = arith.andi %iota3A, %and3A_3 : vector<16xi32>
    %broadcast_in_dim3A = arith.constant 0 : i32
    %broadcast_in_dim3A_5 = vector.broadcast %broadcast_in_dim3A : i32 to vector<16xi32>
    %add3A_6 = arith.constant 0 : i32
    %add3A_7 = arith.addi %add3A_6, %add3A : i32
    %shift_right_arithmetic3A_8 = arith.constant 7 : i32
    %shift_right_arithmetic3A_9 = arith.shrsi %add3A_7, %shift_right_arithmetic3A_8 : i32
    %and3A_10 = arith.constant 127 : i32
    %and3A_11 = arith.andi %add3A_7, %and3A_10 : i32
    %dma_start3A = arith.constant 0 : i32
    %dma_start3A_12 = tpu.memref_slice %arg2[%shift_right_arithmetic3A_9, %and3A_11, %dma_start3A] : memref<25x128x1024xi32, #tpu.memory_space<hbm>> -> memref<1x1x1024xi32, #tpu.memory_space<hbm>>
    %dma_start3A_13 = tpu.memref_squeeze %dma_start3A_12 : memref<1x1x1024xi32, #tpu.memory_space<hbm>> -> memref<1024xi32, #tpu.memory_space<hbm>>
    %dma_start3A_14 = arith.constant 0 : i32
    %dma_start3A_15 = tpu.memref_slice %arg2[%shift_right_arithmetic3A_9, %and3A_11, %dma_start3A_14] : memref<25x128x1024xi32, #tpu.memory_space<hbm>> -> memref<1x1x1024xi32, #tpu.memory_space<hbm>>
    %dma_start3A_16 = tpu.memref_squeeze %dma_start3A_15 : memref<1x1x1024xi32, #tpu.memory_space<hbm>> -> memref<1024xi32, #tpu.memory_space<hbm>>
    tpu.enqueue_dma source(%dma_start3A_16 : memref<1024xi32, #tpu.memory_space<hbm>>) target(%arg5 : memref<1024xi32, #tpu.memory_space<vmem>>) target_semaphore(%arg15 : memref<!tpu.dma_semaphore, #tpu.memory_space<semaphore_mem>>)
    %add3A_17 = arith.constant 0 : i32
    %add3A_18 = arith.addi %add3A_17, %add3A : i32
    %shift_right_arithmetic3A_19 = arith.constant 7 : i32
    %shift_right_arithmetic3A_20 = arith.shrsi %add3A_18, %shift_right_arithmetic3A_19 : i32
    %and3A_21 = arith.constant 127 : i32
    %and3A_22 = arith.andi %add3A_18, %and3A_21 : i32
    %dma_wait3A = arith.constant 0 : i32
    %dma_wait3A_23 = tpu.memref_slice %arg2[%shift_right_arithmetic3A_20, %and3A_22, %dma_wait3A] : memref<25x128x1024xi32, #tpu.memory_space<hbm>> -> memref<1x1x1024xi32, #tpu.memory_space<hbm>>
    %dma_wait3A_24 = tpu.memref_squeeze %dma_wait3A_23 : memref<1x1x1024xi32, #tpu.memory_space<hbm>> -> memref<1024xi32, #tpu.memory_space<hbm>>
    %dma_wait3A_25 = arith.constant 0 : i32
    %dma_wait3A_26 = tpu.memref_slice %arg2[%shift_right_arithmetic3A_20, %and3A_22, %dma_wait3A_25] : memref<25x128x1024xi32, #tpu.memory_space<hbm>> -> memref<1x1x1024xi32, #tpu.memory_space<hbm>>
    %dma_wait3A_27 = tpu.memref_squeeze %dma_wait3A_26 : memref<1x1x1024xi32, #tpu.memory_space<hbm>> -> memref<1024xi32, #tpu.memory_space<hbm>>
    tpu.wait_dma2 semaphore(%arg15 : memref<!tpu.dma_semaphore, #tpu.memory_space<semaphore_mem>>) src(%dma_wait3A_27 : memref<1024xi32, #tpu.memory_space<hbm>>) dst(%arg5 : memref<1024xi32, #tpu.memory_space<vmem>>)
    %dma_start3A_28 = arith.constant 0 : i32
    %dma_start3A_29 = arith.constant 0 : i32
    %dma_start3A_30 = tpu.memref_slice %arg3[%dma_start3A_28, %dma_start3A_29] : memref<1000000x16xf32, #tpu.memory_space<hbm>> -> memref<1000000x16xf32, #tpu.memory_space<hbm>>
    tpu.enqueue_indirect_dma source(%dma_start3A_30 : memref<1000000x16xf32, #tpu.memory_space<hbm>>) target(%arg7 : memref<1024x16xf32, #tpu.memory_space<vmem>>) offsets(%arg5 : memref<1024xi32, #tpu.memory_space<vmem>>) semaphore(%arg11 : memref<!tpu.dma_semaphore, #tpu.memory_space<semaphore_mem>>)
    %scan3A = arith.constant 0 : i32
    %scan3A_31 = arith.constant 0 : i32
    %scan3A_32 = arith.constant 50 : i32
    %scan3A_33 = arith.addi %scan3A_31, %scan3A_32 : i32
    %scan3A_34 = arith.constant 1 : i32
    %scan3A_35 = scf.for %scan3A_49 = %scan3A_31 to %scan3A_33 step %scan3A_34 iter_args(%scan3A_50 = %scan3A) -> (i32)  : i32 {
      %mul3A_51 = arith.constant 2 : i32
      %mul3A_52 = arith.muli %mul3A_51, %scan3A_49 : i32
      %mul3A_53 = arith.constant 2 : i32
      %mul3A_54 = arith.muli %mul3A_53, %scan3A_49 : i32
      %add3A_55 = arith.constant 1 : i32
      %add3A_56 = arith.addi %mul3A_54, %add3A_55 : i32
      %mul3A_57 = arith.constant 32 : i32
      %mul3A_58 = arith.muli %add3A_56, %mul3A_57 : i32
      %add3A_59 = arith.addi %mul3A_58, %add3A : i32
      %shift_right_arithmetic3A_60 = arith.constant 7 : i32
      %shift_right_arithmetic3A_61 = arith.shrsi %add3A_59, %shift_right_arithmetic3A_60 : i32
      %and3A_62 = arith.constant 127 : i32
      %and3A_63 = arith.andi %add3A_59, %and3A_62 : i32
      %dma_start3A_64 = arith.constant 0 : i32
      %dma_start3A_65 = tpu.memref_slice %arg2[%shift_right_arithmetic3A_61, %and3A_63, %dma_start3A_64] : memref<25x128x1024xi32, #tpu.memory_space<hbm>> -> memref<1x1x1024xi32, #tpu.memory_space<hbm>>
      %dma_start3A_66 = tpu.memref_squeeze %dma_start3A_65 : memref<1x1x1024xi32, #tpu.memory_space<hbm>> -> memref<1024xi32, #tpu.memory_space<hbm>>
      %dma_start3A_67 = arith.constant 0 : i32
      %dma_start3A_68 = tpu.memref_slice %arg2[%shift_right_arithmetic3A_61, %and3A_63, %dma_start3A_67] : memref<25x128x1024xi32, #tpu.memory_space<hbm>> -> memref<1x1x1024xi32, #tpu.memory_space<hbm>>
      %dma_start3A_69 = tpu.memref_squeeze %dma_start3A_68 : memref<1x1x1024xi32, #tpu.memory_space<hbm>> -> memref<1024xi32, #tpu.memory_space<hbm>>
      tpu.enqueue_dma source(%dma_start3A_69 : memref<1024xi32, #tpu.memory_space<hbm>>) target(%arg6 : memref<1024xi32, #tpu.memory_space<vmem>>) target_semaphore(%arg16 : memref<!tpu.dma_semaphore, #tpu.memory_space<semaphore_mem>>)
      %mul3A_70 = arith.constant 32 : i32
      %mul3A_71 = arith.muli %add3A_56, %mul3A_70 : i32
      %add3A_72 = arith.addi %mul3A_71, %add3A : i32
      %shift_right_arithmetic3A_73 = arith.constant 7 : i32
      %shift_right_arithmetic3A_74 = arith.shrsi %add3A_72, %shift_right_arithmetic3A_73 : i32
      %and3A_75 = arith.constant 127 : i32
      %and3A_76 = arith.andi %add3A_72, %and3A_75 : i32
      %dma_wait3A_77 = arith.constant 0 : i32
      %dma_wait3A_78 = tpu.memref_slice %arg2[%shift_right_arithmetic3A_74, %and3A_76, %dma_wait3A_77] : memref<25x128x1024xi32, #tpu.memory_space<hbm>> -> memref<1x1x1024xi32, #tpu.memory_space<hbm>>
      %dma_wait3A_79 = tpu.memref_squeeze %dma_wait3A_78 : memref<1x1x1024xi32, #tpu.memory_space<hbm>> -> memref<1024xi32, #tpu.memory_space<hbm>>
      %dma_wait3A_80 = arith.constant 0 : i32
      %dma_wait3A_81 = tpu.memref_slice %arg2[%shift_right_arithmetic3A_74, %and3A_76, %dma_wait3A_80] : memref<25x128x1024xi32, #tpu.memory_space<hbm>> -> memref<1x1x1024xi32, #tpu.memory_space<hbm>>
      %dma_wait3A_82 = tpu.memref_squeeze %dma_wait3A_81 : memref<1x1x1024xi32, #tpu.memory_space<hbm>> -> memref<1024xi32, #tpu.memory_space<hbm>>
      tpu.wait_dma2 semaphore(%arg16 : memref<!tpu.dma_semaphore, #tpu.memory_space<semaphore_mem>>) src(%dma_wait3A_82 : memref<1024xi32, #tpu.memory_space<hbm>>) dst(%arg6 : memref<1024xi32, #tpu.memory_space<vmem>>)
      %dma_start3A_83 = arith.constant 0 : i32
      %dma_start3A_84 = arith.constant 0 : i32
      %dma_start3A_85 = tpu.memref_slice %arg3[%dma_start3A_83, %dma_start3A_84] : memref<1000000x16xf32, #tpu.memory_space<hbm>> -> memref<1000000x16xf32, #tpu.memory_space<hbm>>
      tpu.enqueue_indirect_dma source(%dma_start3A_85 : memref<1000000x16xf32, #tpu.memory_space<hbm>>) target(%arg8 : memref<1024x16xf32, #tpu.memory_space<vmem>>) offsets(%arg6 : memref<1024xi32, #tpu.memory_space<vmem>>) semaphore(%arg12 : memref<!tpu.dma_semaphore, #tpu.memory_space<semaphore_mem>>)
      %dma_wait3A_86 = arith.constant 0 : i32
      %dma_wait3A_87 = arith.constant 0 : i32
      %dma_wait3A_88 = tpu.memref_slice %arg3[%dma_wait3A_86, %dma_wait3A_87] : memref<1000000x16xf32, #tpu.memory_space<hbm>> -> memref<1000000x16xf32, #tpu.memory_space<hbm>>
      tpu.wait_indirect_dma semaphore(%arg11 : memref<!tpu.dma_semaphore, #tpu.memory_space<semaphore_mem>>) src(%dma_wait3A_88 : memref<1000000x16xf32, #tpu.memory_space<hbm>>) dst(%arg7 : memref<1024x16xf32, #tpu.memory_space<vmem>>)
      %gt3A = arith.constant 0 : i32
      %gt3A_89 = arith.cmpi sgt, %scan3A_49, %gt3A : i32
      %convert_element_type3A = arith.extui %gt3A_89 : i1 to i32
      %cond3A = arith.constant 0 : i32
      %cond3A_90 = arith.cmpi ne, %convert_element_type3A, %cond3A : i32
      scf.if %cond3A_90 {
        %dma_wait3A_289 = arith.constant 0 : i32
        %dma_wait3A_290 = arith.constant 0 : i32
        %dma_wait3A_291 = tpu.memref_slice %arg3[%dma_wait3A_289, %dma_wait3A_290] : memref<1000000x16xf32, #tpu.memory_space<hbm>> -> memref<1024x16xf32, #tpu.memory_space<hbm>>
        %dma_wait3A_292 = arith.constant 0 : i32
        %dma_wait3A_293 = arith.constant 0 : i32
        %dma_wait3A_294 = tpu.memref_slice %arg3[%dma_wait3A_292, %dma_wait3A_293] : memref<1000000x16xf32, #tpu.memory_space<hbm>> -> memref<1024x16xf32, #tpu.memory_space<hbm>>
        tpu.wait_dma2 semaphore(%arg13 : memref<!tpu.dma_semaphore, #tpu.memory_space<semaphore_mem>>) src(%dma_wait3A_294 : memref<1024x16xf32, #tpu.memory_space<hbm>>) dst(%arg8 : memref<1024x16xf32, #tpu.memory_space<vmem>>)
      } else {
      }
      %broadcast_in_dim3A_91 = arith.constant 0 : i32
      %broadcast_in_dim3A_92 = vector.broadcast %broadcast_in_dim3A_91 : i32 to vector<16xi32>
      %broadcast_in_dim3A_93 = arith.constant 0 : i32
      %broadcast_in_dim3A_94 = vector.broadcast %broadcast_in_dim3A_93 : i32 to vector<16xi32>
      %parallel_loop3A = arith.constant 0 : i32
      %parallel_loop3A_95 = arith.constant 128 : i32
      %parallel_loop3A_96 = arith.constant 1 : i32
      %parallel_loop3A_97 = scf.for %parallel_loop3A_289 = %parallel_loop3A to %parallel_loop3A_95 step %parallel_loop3A_96 iter_args(%parallel_loop3A_290 = %broadcast_in_dim3A_94) -> (vector<16xi32>)  : i32 {
        %parallel_loop3A_291 = arith.constant 0 : i32
        %parallel_loop3A_292 = arith.addi %parallel_loop3A_291, %parallel_loop3A_289 : i32
        %parallel_loop3A_293 = arith.index_cast %parallel_loop3A_292 : i32 to index
        %parallel_loop3A_294 = arith.constant 0 : index
        %parallel_loop3A_295 = tpu.vector_load %arg7[%parallel_loop3A_293, %parallel_loop3A_294] {strides = array<i32>} : memref<1024x16xf32, #tpu.memory_space<vmem>>, vector<16xf32>,
        tpu.vector_store_idx %arg9[%broadcast_in_dim3A_92, %shift_right_arithmetic3A_2, %broadcast_in_dim3A_5, %and3A_4, %parallel_loop3A_290], %parallel_loop3A_295 : memref<8x2x1x8x129xf32, #tpu.memory_space<vmem>>[vector<16xi32>, vector<16xi32>, vector<16xi32>, vector<16xi32>, vector<16xi32>], vector<16xf32>,
        %parallel_loop3A_296 = arith.constant 1 : i32
        %parallel_loop3A_297 = vector.broadcast %parallel_loop3A_296 : i32 to vector<16xi32>
        %parallel_loop3A_298 = arith.addi %parallel_loop3A_290, %parallel_loop3A_297 : vector<16xi32>
        scf.yield %parallel_loop3A_298 : vector<16xi32>
      } {sc.loop_unroll_factor = 8 : i64, sc.parallel_access}
      %broadcast_in_dim3A_98 = arith.constant 1 : i32
      %broadcast_in_dim3A_99 = vector.broadcast %broadcast_in_dim3A_98 : i32 to vector<16xi32>
      %broadcast_in_dim3A_100 = arith.constant 0 : i32
      %broadcast_in_dim3A_101 = vector.broadcast %broadcast_in_dim3A_100 : i32 to vector<16xi32>
      %parallel_loop3A_102 = arith.constant 0 : i32
      %parallel_loop3A_103 = arith.constant 128 : i32
      %parallel_loop3A_104 = arith.constant 1 : i32
      %parallel_loop3A_105 = scf.for %parallel_loop3A_289 = %parallel_loop3A_102 to %parallel_loop3A_103 step %parallel_loop3A_104 iter_args(%parallel_loop3A_290 = %broadcast_in_dim3A_101) -> (vector<16xi32>)  : i32 {
        %parallel_loop3A_291 = arith.constant 128 : i32
        %parallel_loop3A_292 = arith.addi %parallel_loop3A_291, %parallel_loop3A_289 : i32
        %parallel_loop3A_293 = arith.index_cast %parallel_loop3A_292 : i32 to index
        %parallel_loop3A_294 = arith.constant 0 : index
        %parallel_loop3A_295 = tpu.vector_load %arg7[%parallel_loop3A_293, %parallel_loop3A_294] {strides = array<i32>} : memref<1024x16xf32, #tpu.memory_space<vmem>>, vector<16xf32>,
        tpu.vector_store_idx %arg9[%broadcast_in_dim3A_99, %shift_right_arithmetic3A_2, %broadcast_in_dim3A_5, %and3A_4, %parallel_loop3A_290], %parallel_loop3A_295 : memref<8x2x1x8x129xf32, #tpu.memory_space<vmem>>[vector<16xi32>, vector<16xi32>, vector<16xi32>, vector<16xi32>, vector<16xi32>], vector<16xf32>,
        %parallel_loop3A_296 = arith.constant 1 : i32
        %parallel_loop3A_297 = vector.broadcast %parallel_loop3A_296 : i32 to vector<16xi32>
        %parallel_loop3A_298 = arith.addi %parallel_loop3A_290, %parallel_loop3A_297 : vector<16xi32>
        scf.yield %parallel_loop3A_298 : vector<16xi32>
      } {sc.loop_unroll_factor = 8 : i64, sc.parallel_access}
      %broadcast_in_dim3A_106 = arith.constant 2 : i32
      %broadcast_in_dim3A_107 = vector.broadcast %broadcast_in_dim3A_106 : i32 to vector<16xi32>
      %broadcast_in_dim3A_108 = arith.constant 0 : i32
      %broadcast_in_dim3A_109 = vector.broadcast %broadcast_in_dim3A_108 : i32 to vector<16xi32>
      %parallel_loop3A_110 = arith.constant 0 : i32
      %parallel_loop3A_111 = arith.constant 128 : i32
      %parallel_loop3A_112 = arith.constant 1 : i32
      %parallel_loop3A_113 = scf.for %parallel_loop3A_289 = %parallel_loop3A_110 to %parallel_loop3A_111 step %parallel_loop3A_112 iter_args(%parallel_loop3A_290 = %broadcast_in_dim3A_109) -> (vector<16xi32>)  : i32 {
        %parallel_loop3A_291 = arith.constant 256 : i32
        %parallel_loop3A_292 = arith.addi %parallel_loop3A_291, %parallel_loop3A_289 : i32
        %parallel_loop3A_293 = arith.index_cast %parallel_loop3A_292 : i32 to index
        %parallel_loop3A_294 = arith.constant 0 : index
        %parallel_loop3A_295 = tpu.vector_load %arg7[%parallel_loop3A_293, %parallel_loop3A_294] {strides = array<i32>} : memref<1024x16xf32, #tpu.memory_space<vmem>>, vector<16xf32>,
        tpu.vector_store_idx %arg9[%broadcast_in_dim3A_107, %shift_right_arithmetic3A_2, %broadcast_in_dim3A_5, %and3A_4, %parallel_loop3A_290], %parallel_loop3A_295 : memref<8x2x1x8x129xf32, #tpu.memory_space<vmem>>[vector<16xi32>, vector<16xi32>, vector<16xi32>, vector<16xi32>, vector<16xi32>], vector<16xf32>,
        %parallel_loop3A_296 = arith.constant 1 : i32
        %parallel_loop3A_297 = vector.broadcast %parallel_loop3A_296 : i32 to vector<16xi32>
        %parallel_loop3A_298 = arith.addi %parallel_loop3A_290, %parallel_loop3A_297 : vector<16xi32>
        scf.yield %parallel_loop3A_298 : vector<16xi32>
      } {sc.loop_unroll_factor = 8 : i64, sc.parallel_access}
      %broadcast_in_dim3A_114 = arith.constant 3 : i32
      %broadcast_in_dim3A_115 = vector.broadcast %broadcast_in_dim3A_114 : i32 to vector<16xi32>
      %broadcast_in_dim3A_116 = arith.constant 0 : i32
      %broadcast_in_dim3A_117 = vector.broadcast %broadcast_in_dim3A_116 : i32 to vector<16xi32>
      %parallel_loop3A_118 = arith.constant 0 : i32
      %parallel_loop3A_119 = arith.constant 128 : i32
      %parallel_loop3A_120 = arith.constant 1 : i32
      %parallel_loop3A_121 = scf.for %parallel_loop3A_289 = %parallel_loop3A_118 to %parallel_loop3A_119 step %parallel_loop3A_120 iter_args(%parallel_loop3A_290 = %broadcast_in_dim3A_117) -> (vector<16xi32>)  : i32 {
        %parallel_loop3A_291 = arith.constant 384 : i32
        %parallel_loop3A_292 = arith.addi %parallel_loop3A_291, %parallel_loop3A_289 : i32
        %parallel_loop3A_293 = arith.index_cast %parallel_loop3A_292 : i32 to index
        %parallel_loop3A_294 = arith.constant 0 : index
        %parallel_loop3A_295 = tpu.vector_load %arg7[%parallel_loop3A_293, %parallel_loop3A_294] {strides = array<i32>} : memref<1024x16xf32, #tpu.memory_space<vmem>>, vector<16xf32>,
        tpu.vector_store_idx %arg9[%broadcast_in_dim3A_115, %shift_right_arithmetic3A_2, %broadcast_in_dim3A_5, %and3A_4, %parallel_loop3A_290], %parallel_loop3A_295 : memref<8x2x1x8x129xf32, #tpu.memory_space<vmem>>[vector<16xi32>, vector<16xi32>, vector<16xi32>, vector<16xi32>, vector<16xi32>], vector<16xf32>,
        %parallel_loop3A_296 = arith.constant 1 : i32
        %parallel_loop3A_297 = vector.broadcast %parallel_loop3A_296 : i32 to vector<16xi32>
        %parallel_loop3A_298 = arith.addi %parallel_loop3A_290, %parallel_loop3A_297 : vector<16xi32>
        scf.yield %parallel_loop3A_298 : vector<16xi32>
      } {sc.loop_unroll_factor = 8 : i64, sc.parallel_access}
      %broadcast_in_dim3A_122 = arith.constant 4 : i32
      %broadcast_in_dim3A_123 = vector.broadcast %broadcast_in_dim3A_122 : i32 to vector<16xi32>
      %broadcast_in_dim3A_124 = arith.constant 0 : i32
      %broadcast_in_dim3A_125 = vector.broadcast %broadcast_in_dim3A_124 : i32 to vector<16xi32>
      %parallel_loop3A_126 = arith.constant 0 : i32
      %parallel_loop3A_127 = arith.constant 128 : i32
      %parallel_loop3A_128 = arith.constant 1 : i32
      %parallel_loop3A_129 = scf.for %parallel_loop3A_289 = %parallel_loop3A_126 to %parallel_loop3A_127 step %parallel_loop3A_128 iter_args(%parallel_loop3A_290 = %broadcast_in_dim3A_125) -> (vector<16xi32>)  : i32 {
        %parallel_loop3A_291 = arith.constant 512 : i32
        %parallel_loop3A_292 = arith.addi %parallel_loop3A_291, %parallel_loop3A_289 : i32
        %parallel_loop3A_293 = arith.index_cast %parallel_loop3A_292 : i32 to index
        %parallel_loop3A_294 = arith.constant 0 : index
        %parallel_loop3A_295 = tpu.vector_load %arg7[%parallel_loop3A_293, %parallel_loop3A_294] {strides = array<i32>} : memref<1024x16xf32, #tpu.memory_space<vmem>>, vector<16xf32>,
        tpu.vector_store_idx %arg9[%broadcast_in_dim3A_123, %shift_right_arithmetic3A_2, %broadcast_in_dim3A_5, %and3A_4, %parallel_loop3A_290], %parallel_loop3A_295 : memref<8x2x1x8x129xf32, #tpu.memory_space<vmem>>[vector<16xi32>, vector<16xi32>, vector<16xi32>, vector<16xi32>, vector<16xi32>], vector<16xf32>,
        %parallel_loop3A_296 = arith.constant 1 : i32
        %parallel_loop3A_297 = vector.broadcast %parallel_loop3A_296 : i32 to vector<16xi32>
        %parallel_loop3A_298 = arith.addi %parallel_loop3A_290, %parallel_loop3A_297 : vector<16xi32>
        scf.yield %parallel_loop3A_298 : vector<16xi32>
      } {sc.loop_unroll_factor = 8 : i64, sc.parallel_access}
      %broadcast_in_dim3A_130 = arith.constant 5 : i32
      %broadcast_in_dim3A_131 = vector.broadcast %broadcast_in_dim3A_130 : i32 to vector<16xi32>
      %broadcast_in_dim3A_132 = arith.constant 0 : i32
      %broadcast_in_dim3A_133 = vector.broadcast %broadcast_in_dim3A_132 : i32 to vector<16xi32>
      %parallel_loop3A_134 = arith.constant 0 : i32
      %parallel_loop3A_135 = arith.constant 128 : i32
      %parallel_loop3A_136 = arith.constant 1 : i32
      %parallel_loop3A_137 = scf.for %parallel_loop3A_289 = %parallel_loop3A_134 to %parallel_loop3A_135 step %parallel_loop3A_136 iter_args(%parallel_loop3A_290 = %broadcast_in_dim3A_133) -> (vector<16xi32>)  : i32 {
        %parallel_loop3A_291 = arith.constant 640 : i32
        %parallel_loop3A_292 = arith.addi %parallel_loop3A_291, %parallel_loop3A_289 : i32
        %parallel_loop3A_293 = arith.index_cast %parallel_loop3A_292 : i32 to index
        %parallel_loop3A_294 = arith.constant 0 : index
        %parallel_loop3A_295 = tpu.vector_load %arg7[%parallel_loop3A_293, %parallel_loop3A_294] {strides = array<i32>} : memref<1024x16xf32, #tpu.memory_space<vmem>>, vector<16xf32>,
        tpu.vector_store_idx %arg9[%broadcast_in_dim3A_131, %shift_right_arithmetic3A_2, %broadcast_in_dim3A_5, %and3A_4, %parallel_loop3A_290], %parallel_loop3A_295 : memref<8x2x1x8x129xf32, #tpu.memory_space<vmem>>[vector<16xi32>, vector<16xi32>, vector<16xi32>, vector<16xi32>, vector<16xi32>], vector<16xf32>,
        %parallel_loop3A_296 = arith.constant 1 : i32
        %parallel_loop3A_297 = vector.broadcast %parallel_loop3A_296 : i32 to vector<16xi32>
        %parallel_loop3A_298 = arith.addi %parallel_loop3A_290, %parallel_loop3A_297 : vector<16xi32>
        scf.yield %parallel_loop3A_298 : vector<16xi32>
      } {sc.loop_unroll_factor = 8 : i64, sc.parallel_access}
      %broadcast_in_dim3A_138 = arith.constant 6 : i32
      %broadcast_in_dim3A_139 = vector.broadcast %broadcast_in_dim3A_138 : i32 to vector<16xi32>
      %broadcast_in_dim3A_140 = arith.constant 0 : i32
      %broadcast_in_dim3A_141 = vector.broadcast %broadcast_in_dim3A_140 : i32 to vector<16xi32>
      %parallel_loop3A_142 = arith.constant 0 : i32
      %parallel_loop3A_143 = arith.constant 128 : i32
      %parallel_loop3A_144 = arith.constant 1 : i32
      %parallel_loop3A_145 = scf.for %parallel_loop3A_289 = %parallel_loop3A_142 to %parallel_loop3A_143 step %parallel_loop3A_144 iter_args(%parallel_loop3A_290 = %broadcast_in_dim3A_141) -> (vector<16xi32>)  : i32 {
        %parallel_loop3A_291 = arith.constant 768 : i32
        %parallel_loop3A_292 = arith.addi %parallel_loop3A_291, %parallel_loop3A_289 : i32
        %parallel_loop3A_293 = arith.index_cast %parallel_loop3A_292 : i32 to index
        %parallel_loop3A_294 = arith.constant 0 : index
        %parallel_loop3A_295 = tpu.vector_load %arg7[%parallel_loop3A_293, %parallel_loop3A_294] {strides = array<i32>} : memref<1024x16xf32, #tpu.memory_space<vmem>>, vector<16xf32>,
        tpu.vector_store_idx %arg9[%broadcast_in_dim3A_139, %shift_right_arithmetic3A_2, %broadcast_in_dim3A_5, %and3A_4, %parallel_loop3A_290], %parallel_loop3A_295 : memref<8x2x1x8x129xf32, #tpu.memory_space<vmem>>[vector<16xi32>, vector<16xi32>, vector<16xi32>, vector<16xi32>, vector<16xi32>], vector<16xf32>,
        %parallel_loop3A_296 = arith.constant 1 : i32
        %parallel_loop3A_297 = vector.broadcast %parallel_loop3A_296 : i32 to vector<16xi32>
        %parallel_loop3A_298 = arith.addi %parallel_loop3A_290, %parallel_loop3A_297 : vector<16xi32>
        scf.yield %parallel_loop3A_298 : vector<16xi32>
      } {sc.loop_unroll_factor = 8 : i64, sc.parallel_access}
      %broadcast_in_dim3A_146 = arith.constant 7 : i32
      %broadcast_in_dim3A_147 = vector.broadcast %broadcast_in_dim3A_146 : i32 to vector<16xi32>
      %broadcast_in_dim3A_148 = arith.constant 0 : i32
      %broadcast_in_dim3A_149 = vector.broadcast %broadcast_in_dim3A_148 : i32 to vector<16xi32>
      %parallel_loop3A_150 = arith.constant 0 : i32
      %parallel_loop3A_151 = arith.constant 128 : i32
      %parallel_loop3A_152 = arith.constant 1 : i32
      %parallel_loop3A_153 = scf.for %parallel_loop3A_289 = %parallel_loop3A_150 to %parallel_loop3A_151 step %parallel_loop3A_152 iter_args(%parallel_loop3A_290 = %broadcast_in_dim3A_149) -> (vector<16xi32>)  : i32 {
        %parallel_loop3A_291 = arith.constant 896 : i32
        %parallel_loop3A_292 = arith.addi %parallel_loop3A_291, %parallel_loop3A_289 : i32
        %parallel_loop3A_293 = arith.index_cast %parallel_loop3A_292 : i32 to index
        %parallel_loop3A_294 = arith.constant 0 : index
        %parallel_loop3A_295 = tpu.vector_load %arg7[%parallel_loop3A_293, %parallel_loop3A_294] {strides = array<i32>} : memref<1024x16xf32, #tpu.memory_space<vmem>>, vector<16xf32>,
        tpu.vector_store_idx %arg9[%broadcast_in_dim3A_147, %shift_right_arithmetic3A_2, %broadcast_in_dim3A_5, %and3A_4, %parallel_loop3A_290], %parallel_loop3A_295 : memref<8x2x1x8x129xf32, #tpu.memory_space<vmem>>[vector<16xi32>, vector<16xi32>, vector<16xi32>, vector<16xi32>, vector<16xi32>], vector<16xf32>,
        %parallel_loop3A_296 = arith.constant 1 : i32
        %parallel_loop3A_297 = vector.broadcast %parallel_loop3A_296 : i32 to vector<16xi32>
        %parallel_loop3A_298 = arith.addi %parallel_loop3A_290, %parallel_loop3A_297 : vector<16xi32>
        scf.yield %parallel_loop3A_298 : vector<16xi32>
      } {sc.loop_unroll_factor = 8 : i64, sc.parallel_access}
      %mul3A_154 = arith.constant 32 : i32
      %mul3A_155 = arith.muli %mul3A_52, %mul3A_154 : i32
      %add3A_156 = arith.addi %mul3A_155, %add3A : i32
      %shift_right_arithmetic3A_157 = arith.constant 7 : i32
      %shift_right_arithmetic3A_158 = arith.shrsi %add3A_156, %shift_right_arithmetic3A_157 : i32
      %and3A_159 = arith.constant 127 : i32
      %and3A_160 = arith.andi %add3A_156, %and3A_159 : i32
      %mul3A_161 = arith.constant 8 : i32
      %mul3A_162 = arith.muli %shift_right_arithmetic3A_158, %mul3A_161 : i32
      %dma_start3A_163 = arith.constant 0 : i32
      %dma_start3A_164 = arith.constant 0 : i32
      %dma_start3A_165 = arith.constant 0 : i32
      %dma_start3A_166 = arith.constant 0 : i32
      %dma_start3A_167 = arith.constant 0 : i32
      %dma_start3A_168 = tpu.memref_slice %arg9[%dma_start3A_163, %dma_start3A_164, %dma_start3A_165, %dma_start3A_166, %dma_start3A_167] : memref<8x2x1x8x129xf32, #tpu.memory_space<vmem>> -> memref<8x2x1x8x128xf32, #tpu.memory_space<vmem>>
      %dma_start3A_169 = arith.constant 0 : i32
      %dma_start3A_170 = arith.constant 0 : i32
      %dma_start3A_171 = arith.constant 0 : i32
      %dma_start3A_172 = tpu.memref_slice %arg4[%mul3A_162, %dma_start3A_169, %and3A_160, %dma_start3A_170, %dma_start3A_171] : memref<200x2x128x8x128xf32, #tpu.memory_space<hbm>> -> memref<8x2x1x8x128xf32, #tpu.memory_space<hbm>>
      %dma_start3A_173 = arith.constant 0 : i32
      %dma_start3A_174 = arith.constant 0 : i32
      %dma_start3A_175 = arith.constant 0 : i32
      %dma_start3A_176 = tpu.memref_slice %arg4[%mul3A_162, %dma_start3A_173, %and3A_160, %dma_start3A_174, %dma_start3A_175] : memref<200x2x128x8x128xf32, #tpu.memory_space<hbm>> -> memref<8x2x1x8x128xf32, #tpu.memory_space<hbm>>
      %dma_start3A_177 = arith.constant 0 : i32
      %dma_start3A_178 = arith.constant 0 : i32
      %dma_start3A_179 = arith.constant 0 : i32
      %dma_start3A_180 = arith.constant 0 : i32
      %dma_start3A_181 = arith.constant 0 : i32
      %dma_start3A_182 = tpu.memref_slice %arg9[%dma_start3A_177, %dma_start3A_178, %dma_start3A_179, %dma_start3A_180, %dma_start3A_181] : memref<8x2x1x8x129xf32, #tpu.memory_space<vmem>> -> memref<8x2x1x8x128xf32, #tpu.memory_space<vmem>>
      tpu.enqueue_dma source(%dma_start3A_182 : memref<8x2x1x8x128xf32, #tpu.memory_space<vmem>>) target(%dma_start3A_176 : memref<8x2x1x8x128xf32, #tpu.memory_space<hbm>>) target_semaphore(%arg13 : memref<!tpu.dma_semaphore, #tpu.memory_space<semaphore_mem>>)
      %lt3A = arith.constant 49 : i32
      %lt3A_183 = arith.cmpi slt, %scan3A_49, %lt3A : i32
      %convert_element_type3A_184 = arith.extui %lt3A_183 : i1 to i32
      %cond3A_185 = arith.constant 0 : i32
      %cond3A_186 = arith.cmpi ne, %convert_element_type3A_184, %cond3A_185 : i32
      scf.if %cond3A_186 {
        %add3A_289 = arith.constant 2 : i32
        %add3A_290 = arith.addi %mul3A_52, %add3A_289 : i32
        %mul3A_291 = arith.constant 32 : i32
        %mul3A_292 = arith.muli %add3A_290, %mul3A_291 : i32
        %add3A_293 = arith.addi %mul3A_292, %add3A : i32
        %shift_right_arithmetic3A_294 = arith.constant 7 : i32
        %shift_right_arithmetic3A_295 = arith.shrsi %add3A_293, %shift_right_arithmetic3A_294 : i32
        %and3A_296 = arith.constant 127 : i32
        %and3A_297 = arith.andi %add3A_293, %and3A_296 : i32
        %dma_start3A_298 = arith.constant 0 : i32
        %dma_start3A_299 = tpu.memref_slice %arg2[%shift_right_arithmetic3A_295, %and3A_297, %dma_start3A_298] : memref<25x128x1024xi32, #tpu.memory_space<hbm>> -> memref<1x1x1024xi32, #tpu.memory_space<hbm>>
        %dma_start3A_300 = tpu.memref_squeeze %dma_start3A_299 : memref<1x1x1024xi32, #tpu.memory_space<hbm>> -> memref<1024xi32, #tpu.memory_space<hbm>>
        %dma_start3A_301 = arith.constant 0 : i32
        %dma_start3A_302 = tpu.memref_slice %arg2[%shift_right_arithmetic3A_295, %and3A_297, %dma_start3A_301] : memref<25x128x1024xi32, #tpu.memory_space<hbm>> -> memref<1x1x1024xi32, #tpu.memory_space<hbm>>
        %dma_start3A_303 = tpu.memref_squeeze %dma_start3A_302 : memref<1x1x1024xi32, #tpu.memory_space<hbm>> -> memref<1024xi32, #tpu.memory_space<hbm>>
        tpu.enqueue_dma source(%dma_start3A_303 : memref<1024xi32, #tpu.memory_space<hbm>>) target(%arg5 : memref<1024xi32, #tpu.memory_space<vmem>>) target_semaphore(%arg15 : memref<!tpu.dma_semaphore, #tpu.memory_space<semaphore_mem>>)
        %mul3A_304 = arith.constant 32 : i32
        %mul3A_305 = arith.muli %add3A_290, %mul3A_304 : i32
        %add3A_306 = arith.addi %mul3A_305, %add3A : i32
        %shift_right_arithmetic3A_307 = arith.constant 7 : i32
        %shift_right_arithmetic3A_308 = arith.shrsi %add3A_306, %shift_right_arithmetic3A_307 : i32
        %and3A_309 = arith.constant 127 : i32
        %and3A_310 = arith.andi %add3A_306, %and3A_309 : i32
        %dma_wait3A_311 = arith.constant 0 : i32
        %dma_wait3A_312 = tpu.memref_slice %arg2[%shift_right_arithmetic3A_308, %and3A_310, %dma_wait3A_311] : memref<25x128x1024xi32, #tpu.memory_space<hbm>> -> memref<1x1x1024xi32, #tpu.memory_space<hbm>>
        %dma_wait3A_313 = tpu.memref_squeeze %dma_wait3A_312 : memref<1x1x1024xi32, #tpu.memory_space<hbm>> -> memref<1024xi32, #tpu.memory_space<hbm>>
        %dma_wait3A_314 = arith.constant 0 : i32
        %dma_wait3A_315 = tpu.memref_slice %arg2[%shift_right_arithmetic3A_308, %and3A_310, %dma_wait3A_314] : memref<25x128x1024xi32, #tpu.memory_space<hbm>> -> memref<1x1x1024xi32, #tpu.memory_space<hbm>>
        %dma_wait3A_316 = tpu.memref_squeeze %dma_wait3A_315 : memref<1x1x1024xi32, #tpu.memory_space<hbm>> -> memref<1024xi32, #tpu.memory_space<hbm>>
        tpu.wait_dma2 semaphore(%arg15 : memref<!tpu.dma_semaphore, #tpu.memory_space<semaphore_mem>>) src(%dma_wait3A_316 : memref<1024xi32, #tpu.memory_space<hbm>>) dst(%arg5 : memref<1024xi32, #tpu.memory_space<vmem>>)
        %dma_start3A_317 = arith.constant 0 : i32
        %dma_start3A_318 = arith.constant 0 : i32
        %dma_start3A_319 = tpu.memref_slice %arg3[%dma_start3A_317, %dma_start3A_318] : memref<1000000x16xf32, #tpu.memory_space<hbm>> -> memref<1000000x16xf32, #tpu.memory_space<hbm>>
        tpu.enqueue_indirect_dma source(%dma_start3A_319 : memref<1000000x16xf32, #tpu.memory_space<hbm>>) target(%arg7 : memref<1024x16xf32, #tpu.memory_space<vmem>>) offsets(%arg5 : memref<1024xi32, #tpu.memory_space<vmem>>) semaphore(%arg11 : memref<!tpu.dma_semaphore, #tpu.memory_space<semaphore_mem>>)
      } else {
      }
      %dma_wait3A_187 = arith.constant 0 : i32
      %dma_wait3A_188 = arith.constant 0 : i32
      %dma_wait3A_189 = tpu.memref_slice %arg3[%dma_wait3A_187, %dma_wait3A_188] : memref<1000000x16xf32, #tpu.memory_space<hbm>> -> memref<1000000x16xf32, #tpu.memory_space<hbm>>
      tpu.wait_indirect_dma semaphore(%arg12 : memref<!tpu.dma_semaphore, #tpu.memory_space<semaphore_mem>>) src(%dma_wait3A_189 : memref<1000000x16xf32, #tpu.memory_space<hbm>>) dst(%arg8 : memref<1024x16xf32, #tpu.memory_space<vmem>>)
      %gt3A_190 = arith.constant 0 : i32
      %gt3A_191 = arith.cmpi sgt, %scan3A_49, %gt3A_190 : i32
      %convert_element_type3A_192 = arith.extui %gt3A_191 : i1 to i32
      %cond3A_193 = arith.constant 0 : i32
      %cond3A_194 = arith.cmpi ne, %convert_element_type3A_192, %cond3A_193 : i32
      scf.if %cond3A_194 {
        %dma_wait3A_289 = arith.constant 0 : i32
        %dma_wait3A_290 = arith.constant 0 : i32
        %dma_wait3A_291 = tpu.memref_slice %arg3[%dma_wait3A_289, %dma_wait3A_290] : memref<1000000x16xf32, #tpu.memory_space<hbm>> -> memref<1024x16xf32, #tpu.memory_space<hbm>>
        %dma_wait3A_292 = arith.constant 0 : i32
        %dma_wait3A_293 = arith.constant 0 : i32
        %dma_wait3A_294 = tpu.memref_slice %arg3[%dma_wait3A_292, %dma_wait3A_293] : memref<1000000x16xf32, #tpu.memory_space<hbm>> -> memref<1024x16xf32, #tpu.memory_space<hbm>>
        tpu.wait_dma2 semaphore(%arg14 : memref<!tpu.dma_semaphore, #tpu.memory_space<semaphore_mem>>) src(%dma_wait3A_294 : memref<1024x16xf32, #tpu.memory_space<hbm>>) dst(%arg7 : memref<1024x16xf32, #tpu.memory_space<vmem>>)
      } else {
      }
      %broadcast_in_dim3A_195 = arith.constant 0 : i32
      %broadcast_in_dim3A_196 = vector.broadcast %broadcast_in_dim3A_195 : i32 to vector<16xi32>
      %broadcast_in_dim3A_197 = arith.constant 0 : i32
      %broadcast_in_dim3A_198 = vector.broadcast %broadcast_in_dim3A_197 : i32 to vector<16xi32>
      %parallel_loop3A_199 = arith.constant 0 : i32
      %parallel_loop3A_200 = arith.constant 128 : i32
      %parallel_loop3A_201 = arith.constant 1 : i32
      %parallel_loop3A_202 = scf.for %parallel_loop3A_289 = %parallel_loop3A_199 to %parallel_loop3A_200 step %parallel_loop3A_201 iter_args(%parallel_loop3A_290 = %broadcast_in_dim3A_198) -> (vector<16xi32>)  : i32 {
        %parallel_loop3A_291 = arith.constant 0 : i32
        %parallel_loop3A_292 = arith.addi %parallel_loop3A_291, %parallel_loop3A_289 : i32
        %parallel_loop3A_293 = arith.index_cast %parallel_loop3A_292 : i32 to index
        %parallel_loop3A_294 = arith.constant 0 : index
        %parallel_loop3A_295 = tpu.vector_load %arg8[%parallel_loop3A_293, %parallel_loop3A_294] {strides = array<i32>} : memref<1024x16xf32, #tpu.memory_space<vmem>>, vector<16xf32>,
        tpu.vector_store_idx %arg10[%broadcast_in_dim3A_196, %shift_right_arithmetic3A_2, %broadcast_in_dim3A_5, %and3A_4, %parallel_loop3A_290], %parallel_loop3A_295 : memref<8x2x1x8x129xf32, #tpu.memory_space<vmem>>[vector<16xi32>, vector<16xi32>, vector<16xi32>, vector<16xi32>, vector<16xi32>], vector<16xf32>,
        %parallel_loop3A_296 = arith.constant 1 : i32
        %parallel_loop3A_297 = vector.broadcast %parallel_loop3A_296 : i32 to vector<16xi32>
        %parallel_loop3A_298 = arith.addi %parallel_loop3A_290, %parallel_loop3A_297 : vector<16xi32>
        scf.yield %parallel_loop3A_298 : vector<16xi32>
      } {sc.loop_unroll_factor = 8 : i64, sc.parallel_access}
      %broadcast_in_dim3A_203 = arith.constant 1 : i32
      %broadcast_in_dim3A_204 = vector.broadcast %broadcast_in_dim3A_203 : i32 to vector<16xi32>
      %broadcast_in_dim3A_205 = arith.constant 0 : i32
      %broadcast_in_dim3A_206 = vector.broadcast %broadcast_in_dim3A_205 : i32 to vector<16xi32>
      %parallel_loop3A_207 = arith.constant 0 : i32
      %parallel_loop3A_208 = arith.constant 128 : i32
      %parallel_loop3A_209 = arith.constant 1 : i32
      %parallel_loop3A_210 = scf.for %parallel_loop3A_289 = %parallel_loop3A_207 to %parallel_loop3A_208 step %parallel_loop3A_209 iter_args(%parallel_loop3A_290 = %broadcast_in_dim3A_206) -> (vector<16xi32>)  : i32 {
        %parallel_loop3A_291 = arith.constant 128 : i32
        %parallel_loop3A_292 = arith.addi %parallel_loop3A_291, %parallel_loop3A_289 : i32
        %parallel_loop3A_293 = arith.index_cast %parallel_loop3A_292 : i32 to index
        %parallel_loop3A_294 = arith.constant 0 : index
        %parallel_loop3A_295 = tpu.vector_load %arg8[%parallel_loop3A_293, %parallel_loop3A_294] {strides = array<i32>} : memref<1024x16xf32, #tpu.memory_space<vmem>>, vector<16xf32>,
        tpu.vector_store_idx %arg10[%broadcast_in_dim3A_204, %shift_right_arithmetic3A_2, %broadcast_in_dim3A_5, %and3A_4, %parallel_loop3A_290], %parallel_loop3A_295 : memref<8x2x1x8x129xf32, #tpu.memory_space<vmem>>[vector<16xi32>, vector<16xi32>, vector<16xi32>, vector<16xi32>, vector<16xi32>], vector<16xf32>,
        %parallel_loop3A_296 = arith.constant 1 : i32
        %parallel_loop3A_297 = vector.broadcast %parallel_loop3A_296 : i32 to vector<16xi32>
        %parallel_loop3A_298 = arith.addi %parallel_loop3A_290, %parallel_loop3A_297 : vector<16xi32>
        scf.yield %parallel_loop3A_298 : vector<16xi32>
      } {sc.loop_unroll_factor = 8 : i64, sc.parallel_access}
      %broadcast_in_dim3A_211 = arith.constant 2 : i32
      %broadcast_in_dim3A_212 = vector.broadcast %broadcast_in_dim3A_211 : i32 to vector<16xi32>
      %broadcast_in_dim3A_213 = arith.constant 0 : i32
      %broadcast_in_dim3A_214 = vector.broadcast %broadcast_in_dim3A_213 : i32 to vector<16xi32>
      %parallel_loop3A_215 = arith.constant 0 : i32
      %parallel_loop3A_216 = arith.constant 128 : i32
      %parallel_loop3A_217 = arith.constant 1 : i32
      %parallel_loop3A_218 = scf.for %parallel_loop3A_289 = %parallel_loop3A_215 to %parallel_loop3A_216 step %parallel_loop3A_217 iter_args(%parallel_loop3A_290 = %broadcast_in_dim3A_214) -> (vector<16xi32>)  : i32 {
        %parallel_loop3A_291 = arith.constant 256 : i32
        %parallel_loop3A_292 = arith.addi %parallel_loop3A_291, %parallel_loop3A_289 : i32
        %parallel_loop3A_293 = arith.index_cast %parallel_loop3A_292 : i32 to index
        %parallel_loop3A_294 = arith.constant 0 : index
        %parallel_loop3A_295 = tpu.vector_load %arg8[%parallel_loop3A_293, %parallel_loop3A_294] {strides = array<i32>} : memref<1024x16xf32, #tpu.memory_space<vmem>>, vector<16xf32>,
        tpu.vector_store_idx %arg10[%broadcast_in_dim3A_212, %shift_right_arithmetic3A_2, %broadcast_in_dim3A_5, %and3A_4, %parallel_loop3A_290], %parallel_loop3A_295 : memref<8x2x1x8x129xf32, #tpu.memory_space<vmem>>[vector<16xi32>, vector<16xi32>, vector<16xi32>, vector<16xi32>, vector<16xi32>], vector<16xf32>,
        %parallel_loop3A_296 = arith.constant 1 : i32
        %parallel_loop3A_297 = vector.broadcast %parallel_loop3A_296 : i32 to vector<16xi32>
        %parallel_loop3A_298 = arith.addi %parallel_loop3A_290, %parallel_loop3A_297 : vector<16xi32>
        scf.yield %parallel_loop3A_298 : vector<16xi32>
      } {sc.loop_unroll_factor = 8 : i64, sc.parallel_access}
      %broadcast_in_dim3A_219 = arith.constant 3 : i32
      %broadcast_in_dim3A_220 = vector.broadcast %broadcast_in_dim3A_219 : i32 to vector<16xi32>
      %broadcast_in_dim3A_221 = arith.constant 0 : i32
      %broadcast_in_dim3A_222 = vector.broadcast %broadcast_in_dim3A_221 : i32 to vector<16xi32>
      %parallel_loop3A_223 = arith.constant 0 : i32
      %parallel_loop3A_224 = arith.constant 128 : i32
      %parallel_loop3A_225 = arith.constant 1 : i32
      %parallel_loop3A_226 = scf.for %parallel_loop3A_289 = %parallel_loop3A_223 to %parallel_loop3A_224 step %parallel_loop3A_225 iter_args(%parallel_loop3A_290 = %broadcast_in_dim3A_222) -> (vector<16xi32>)  : i32 {
        %parallel_loop3A_291 = arith.constant 384 : i32
        %parallel_loop3A_292 = arith.addi %parallel_loop3A_291, %parallel_loop3A_289 : i32
        %parallel_loop3A_293 = arith.index_cast %parallel_loop3A_292 : i32 to index
        %parallel_loop3A_294 = arith.constant 0 : index
        %parallel_loop3A_295 = tpu.vector_load %arg8[%parallel_loop3A_293, %parallel_loop3A_294] {strides = array<i32>} : memref<1024x16xf32, #tpu.memory_space<vmem>>, vector<16xf32>,
        tpu.vector_store_idx %arg10[%broadcast_in_dim3A_220, %shift_right_arithmetic3A_2, %broadcast_in_dim3A_5, %and3A_4, %parallel_loop3A_290], %parallel_loop3A_295 : memref<8x2x1x8x129xf32, #tpu.memory_space<vmem>>[vector<16xi32>, vector<16xi32>, vector<16xi32>, vector<16xi32>, vector<16xi32>], vector<16xf32>,
        %parallel_loop3A_296 = arith.constant 1 : i32
        %parallel_loop3A_297 = vector.broadcast %parallel_loop3A_296 : i32 to vector<16xi32>
        %parallel_loop3A_298 = arith.addi %parallel_loop3A_290, %parallel_loop3A_297 : vector<16xi32>
        scf.yield %parallel_loop3A_298 : vector<16xi32>
      } {sc.loop_unroll_factor = 8 : i64, sc.parallel_access}
      %broadcast_in_dim3A_227 = arith.constant 4 : i32
      %broadcast_in_dim3A_228 = vector.broadcast %broadcast_in_dim3A_227 : i32 to vector<16xi32>
      %broadcast_in_dim3A_229 = arith.constant 0 : i32
      %broadcast_in_dim3A_230 = vector.broadcast %broadcast_in_dim3A_229 : i32 to vector<16xi32>
      %parallel_loop3A_231 = arith.constant 0 : i32
      %parallel_loop3A_232 = arith.constant 128 : i32
      %parallel_loop3A_233 = arith.constant 1 : i32
      %parallel_loop3A_234 = scf.for %parallel_loop3A_289 = %parallel_loop3A_231 to %parallel_loop3A_232 step %parallel_loop3A_233 iter_args(%parallel_loop3A_290 = %broadcast_in_dim3A_230) -> (vector<16xi32>)  : i32 {
        %parallel_loop3A_291 = arith.constant 512 : i32
        %parallel_loop3A_292 = arith.addi %parallel_loop3A_291, %parallel_loop3A_289 : i32
        %parallel_loop3A_293 = arith.index_cast %parallel_loop3A_292 : i32 to index
        %parallel_loop3A_294 = arith.constant 0 : index
        %parallel_loop3A_295 = tpu.vector_load %arg8[%parallel_loop3A_293, %parallel_loop3A_294] {strides = array<i32>} : memref<1024x16xf32, #tpu.memory_space<vmem>>, vector<16xf32>,
        tpu.vector_store_idx %arg10[%broadcast_in_dim3A_228, %shift_right_arithmetic3A_2, %broadcast_in_dim3A_5, %and3A_4, %parallel_loop3A_290], %parallel_loop3A_295 : memref<8x2x1x8x129xf32, #tpu.memory_space<vmem>>[vector<16xi32>, vector<16xi32>, vector<16xi32>, vector<16xi32>, vector<16xi32>], vector<16xf32>,
        %parallel_loop3A_296 = arith.constant 1 : i32
        %parallel_loop3A_297 = vector.broadcast %parallel_loop3A_296 : i32 to vector<16xi32>
        %parallel_loop3A_298 = arith.addi %parallel_loop3A_290, %parallel_loop3A_297 : vector<16xi32>
        scf.yield %parallel_loop3A_298 : vector<16xi32>
      } {sc.loop_unroll_factor = 8 : i64, sc.parallel_access}
      %broadcast_in_dim3A_235 = arith.constant 5 : i32
      %broadcast_in_dim3A_236 = vector.broadcast %broadcast_in_dim3A_235 : i32 to vector<16xi32>
      %broadcast_in_dim3A_237 = arith.constant 0 : i32
      %broadcast_in_dim3A_238 = vector.broadcast %broadcast_in_dim3A_237 : i32 to vector<16xi32>
      %parallel_loop3A_239 = arith.constant 0 : i32
      %parallel_loop3A_240 = arith.constant 128 : i32
      %parallel_loop3A_241 = arith.constant 1 : i32
      %parallel_loop3A_242 = scf.for %parallel_loop3A_289 = %parallel_loop3A_239 to %parallel_loop3A_240 step %parallel_loop3A_241 iter_args(%parallel_loop3A_290 = %broadcast_in_dim3A_238) -> (vector<16xi32>)  : i32 {
        %parallel_loop3A_291 = arith.constant 640 : i32
        %parallel_loop3A_292 = arith.addi %parallel_loop3A_291, %parallel_loop3A_289 : i32
        %parallel_loop3A_293 = arith.index_cast %parallel_loop3A_292 : i32 to index
        %parallel_loop3A_294 = arith.constant 0 : index
        %parallel_loop3A_295 = tpu.vector_load %arg8[%parallel_loop3A_293, %parallel_loop3A_294] {strides = array<i32>} : memref<1024x16xf32, #tpu.memory_space<vmem>>, vector<16xf32>,
        tpu.vector_store_idx %arg10[%broadcast_in_dim3A_236, %shift_right_arithmetic3A_2, %broadcast_in_dim3A_5, %and3A_4, %parallel_loop3A_290], %parallel_loop3A_295 : memref<8x2x1x8x129xf32, #tpu.memory_space<vmem>>[vector<16xi32>, vector<16xi32>, vector<16xi32>, vector<16xi32>, vector<16xi32>], vector<16xf32>,
        %parallel_loop3A_296 = arith.constant 1 : i32
        %parallel_loop3A_297 = vector.broadcast %parallel_loop3A_296 : i32 to vector<16xi32>
        %parallel_loop3A_298 = arith.addi %parallel_loop3A_290, %parallel_loop3A_297 : vector<16xi32>
        scf.yield %parallel_loop3A_298 : vector<16xi32>
      } {sc.loop_unroll_factor = 8 : i64, sc.parallel_access}
      %broadcast_in_dim3A_243 = arith.constant 6 : i32
      %broadcast_in_dim3A_244 = vector.broadcast %broadcast_in_dim3A_243 : i32 to vector<16xi32>
      %broadcast_in_dim3A_245 = arith.constant 0 : i32
      %broadcast_in_dim3A_246 = vector.broadcast %broadcast_in_dim3A_245 : i32 to vector<16xi32>
      %parallel_loop3A_247 = arith.constant 0 : i32
      %parallel_loop3A_248 = arith.constant 128 : i32
      %parallel_loop3A_249 = arith.constant 1 : i32
      %parallel_loop3A_250 = scf.for %parallel_loop3A_289 = %parallel_loop3A_247 to %parallel_loop3A_248 step %parallel_loop3A_249 iter_args(%parallel_loop3A_290 = %broadcast_in_dim3A_246) -> (vector<16xi32>)  : i32 {
        %parallel_loop3A_291 = arith.constant 768 : i32
        %parallel_loop3A_292 = arith.addi %parallel_loop3A_291, %parallel_loop3A_289 : i32
        %parallel_loop3A_293 = arith.index_cast %parallel_loop3A_292 : i32 to index
        %parallel_loop3A_294 = arith.constant 0 : index
        %parallel_loop3A_295 = tpu.vector_load %arg8[%parallel_loop3A_293, %parallel_loop3A_294] {strides = array<i32>} : memref<1024x16xf32, #tpu.memory_space<vmem>>, vector<16xf32>,
        tpu.vector_store_idx %arg10[%broadcast_in_dim3A_244, %shift_right_arithmetic3A_2, %broadcast_in_dim3A_5, %and3A_4, %parallel_loop3A_290], %parallel_loop3A_295 : memref<8x2x1x8x129xf32, #tpu.memory_space<vmem>>[vector<16xi32>, vector<16xi32>, vector<16xi32>, vector<16xi32>, vector<16xi32>], vector<16xf32>,
        %parallel_loop3A_296 = arith.constant 1 : i32
        %parallel_loop3A_297 = vector.broadcast %parallel_loop3A_296 : i32 to vector<16xi32>
        %parallel_loop3A_298 = arith.addi %parallel_loop3A_290, %parallel_loop3A_297 : vector<16xi32>
        scf.yield %parallel_loop3A_298 : vector<16xi32>
      } {sc.loop_unroll_factor = 8 : i64, sc.parallel_access}
      %broadcast_in_dim3A_251 = arith.constant 7 : i32
      %broadcast_in_dim3A_252 = vector.broadcast %broadcast_in_dim3A_251 : i32 to vector<16xi32>
      %broadcast_in_dim3A_253 = arith.constant 0 : i32
      %broadcast_in_dim3A_254 = vector.broadcast %broadcast_in_dim3A_253 : i32 to vector<16xi32>
      %parallel_loop3A_255 = arith.constant 0 : i32
      %parallel_loop3A_256 = arith.constant 128 : i32
      %parallel_loop3A_257 = arith.constant 1 : i32
      %parallel_loop3A_258 = scf.for %parallel_loop3A_289 = %parallel_loop3A_255 to %parallel_loop3A_256 step %parallel_loop3A_257 iter_args(%parallel_loop3A_290 = %broadcast_in_dim3A_254) -> (vector<16xi32>)  : i32 {
        %parallel_loop3A_291 = arith.constant 896 : i32
        %parallel_loop3A_292 = arith.addi %parallel_loop3A_291, %parallel_loop3A_289 : i32
        %parallel_loop3A_293 = arith.index_cast %parallel_loop3A_292 : i32 to index
        %parallel_loop3A_294 = arith.constant 0 : index
        %parallel_loop3A_295 = tpu.vector_load %arg8[%parallel_loop3A_293, %parallel_loop3A_294] {strides = array<i32>} : memref<1024x16xf32, #tpu.memory_space<vmem>>, vector<16xf32>,
        tpu.vector_store_idx %arg10[%broadcast_in_dim3A_252, %shift_right_arithmetic3A_2, %broadcast_in_dim3A_5, %and3A_4, %parallel_loop3A_290], %parallel_loop3A_295 : memref<8x2x1x8x129xf32, #tpu.memory_space<vmem>>[vector<16xi32>, vector<16xi32>, vector<16xi32>, vector<16xi32>, vector<16xi32>], vector<16xf32>,
        %parallel_loop3A_296 = arith.constant 1 : i32
        %parallel_loop3A_297 = vector.broadcast %parallel_loop3A_296 : i32 to vector<16xi32>
        %parallel_loop3A_298 = arith.addi %parallel_loop3A_290, %parallel_loop3A_297 : vector<16xi32>
        scf.yield %parallel_loop3A_298 : vector<16xi32>
      } {sc.loop_unroll_factor = 8 : i64, sc.parallel_access}
      %mul3A_259 = arith.constant 32 : i32
      %mul3A_260 = arith.muli %add3A_56, %mul3A_259 : i32
      %add3A_261 = arith.addi %mul3A_260, %add3A : i32
      %shift_right_arithmetic3A_262 = arith.constant 7 : i32
      %shift_right_arithmetic3A_263 = arith.shrsi %add3A_261, %shift_right_arithmetic3A_262 : i32
      %and3A_264 = arith.constant 127 : i32
      %and3A_265 = arith.andi %add3A_261, %and3A_264 : i32
      %mul3A_266 = arith.constant 8 : i32
      %mul3A_267 = arith.muli %shift_right_arithmetic3A_263, %mul3A_266 : i32
      %dma_start3A_268 = arith.constant 0 : i32
      %dma_start3A_269 = arith.constant 0 : i32
      %dma_start3A_270 = arith.constant 0 : i32
      %dma_start3A_271 = arith.constant 0 : i32
      %dma_start3A_272 = arith.constant 0 : i32
      %dma_start3A_273 = tpu.memref_slice %arg10[%dma_start3A_268, %dma_start3A_269, %dma_start3A_270, %dma_start3A_271, %dma_start3A_272] : memref<8x2x1x8x129xf32, #tpu.memory_space<vmem>> -> memref<8x2x1x8x128xf32, #tpu.memory_space<vmem>>
      %dma_start3A_274 = arith.constant 0 : i32
      %dma_start3A_275 = arith.constant 0 : i32
      %dma_start3A_276 = arith.constant 0 : i32
      %dma_start3A_277 = tpu.memref_slice %arg4[%mul3A_267, %dma_start3A_274, %and3A_265, %dma_start3A_275, %dma_start3A_276] : memref<200x2x128x8x128xf32, #tpu.memory_space<hbm>> -> memref<8x2x1x8x128xf32, #tpu.memory_space<hbm>>
      %dma_start3A_278 = arith.constant 0 : i32
      %dma_start3A_279 = arith.constant 0 : i32
      %dma_start3A_280 = arith.constant 0 : i32
      %dma_start3A_281 = tpu.memref_slice %arg4[%mul3A_267, %dma_start3A_278, %and3A_265, %dma_start3A_279, %dma_start3A_280] : memref<200x2x128x8x128xf32, #tpu.memory_space<hbm>> -> memref<8x2x1x8x128xf32, #tpu.memory_space<hbm>>
      %dma_start3A_282 = arith.constant 0 : i32
      %dma_start3A_283 = arith.constant 0 : i32
      %dma_start3A_284 = arith.constant 0 : i32
      %dma_start3A_285 = arith.constant 0 : i32
      %dma_start3A_286 = arith.constant 0 : i32
      %dma_start3A_287 = tpu.memref_slice %arg10[%dma_start3A_282, %dma_start3A_283, %dma_start3A_284, %dma_start3A_285, %dma_start3A_286] : memref<8x2x1x8x129xf32, #tpu.memory_space<vmem>> -> memref<8x2x1x8x128xf32, #tpu.memory_space<vmem>>
      tpu.enqueue_dma source(%dma_start3A_287 : memref<8x2x1x8x128xf32, #tpu.memory_space<vmem>>) target(%dma_start3A_281 : memref<8x2x1x8x128xf32, #tpu.memory_space<hbm>>) target_semaphore(%arg14 : memref<!tpu.dma_semaphore, #tpu.memory_space<semaphore_mem>>)
      %scan3A_288 = arith.constant 0 : i32
      scf.yield %scan3A_288 : i32
    }
    %scan3A_36 = arith.constant 50 : i32
    %dma_wait3A_37 = arith.constant 0 : i32
    %dma_wait3A_38 = arith.constant 0 : i32
    %dma_wait3A_39 = tpu.memref_slice %arg3[%dma_wait3A_37, %dma_wait3A_38] : memref<1000000x16xf32, #tpu.memory_space<hbm>> -> memref<1024x16xf32, #tpu.memory_space<hbm>>
    %dma_wait3A_40 = arith.constant 0 : i32
    %dma_wait3A_41 = arith.constant 0 : i32
    %dma_wait3A_42 = tpu.memref_slice %arg3[%dma_wait3A_40, %dma_wait3A_41] : memref<1000000x16xf32, #tpu.memory_space<hbm>> -> memref<1024x16xf32, #tpu.memory_space<hbm>>
    tpu.wait_dma2 semaphore(%arg13 : memref<!tpu.dma_semaphore, #tpu.memory_space<semaphore_mem>>) src(%dma_wait3A_42 : memref<1024x16xf32, #tpu.memory_space<hbm>>) dst(%arg7 : memref<1024x16xf32, #tpu.memory_space<vmem>>)
    %dma_wait3A_43 = arith.constant 0 : i32
    %dma_wait3A_44 = arith.constant 0 : i32
    %dma_wait3A_45 = tpu.memref_slice %arg3[%dma_wait3A_43, %dma_wait3A_44] : memref<1000000x16xf32, #tpu.memory_space<hbm>> -> memref<1024x16xf32, #tpu.memory_space<hbm>>
    %dma_wait3A_46 = arith.constant 0 : i32
    %dma_wait3A_47 = arith.constant 0 : i32
    %dma_wait3A_48 = tpu.memref_slice %arg3[%dma_wait3A_46, %dma_wait3A_47] : memref<1000000x16xf32, #tpu.memory_space<hbm>> -> memref<1024x16xf32, #tpu.memory_space<hbm>>
    tpu.wait_dma2 semaphore(%arg14 : memref<!tpu.dma_semaphore, #tpu.memory_space<semaphore_mem>>) src(%dma_wait3A_48 : memref<1024x16xf32, #tpu.memory_space<hbm>>) dst(%arg8 : memref<1024x16xf32, #tpu.memory_space<vmem>>)
    return
  }
}

#map = affine_map<(d0, d1) -> (0, 0)>
module attributes {stable_mosaic.version = 14 : i64} {
  func.func @k(%arg0: i32, %arg1: i32, %arg2: memref<16x1000000xf32, #tpu.memory_space<hbm>>, %arg3: memref<8x128xf32, #tpu.memory_space<hbm>>, %arg4: memref<125000x128xf32, #tpu.memory_space<hbm>>, %arg5: memref<16x1537xf32, #tpu.memory_space<vmem>>, %arg6: memref<16x1537xf32, #tpu.memory_space<vmem>>, %arg7: memref<192x128xf32, #tpu.memory_space<vmem>>, %arg8: memref<192x128xf32, #tpu.memory_space<vmem>>, %arg9: memref<8x128xf32, #tpu.memory_space<vmem>>, %arg10: memref<!tpu.dma_semaphore, #tpu.memory_space<semaphore_mem>>, %arg11: memref<!tpu.dma_semaphore, #tpu.memory_space<semaphore_mem>>, %arg12: memref<!tpu.dma_semaphore, #tpu.memory_space<semaphore_mem>>, %arg13: memref<!tpu.dma_semaphore, #tpu.memory_space<semaphore_mem>>) attributes {dimension_semantics = [#tpu.dimension_semantics<core_parallel>, #tpu.dimension_semantics<subcore_parallel>], iteration_bounds = array<i64: 2, 16>, scalar_prefetch = 0 : i64, scratch_operands = 9 : i64, tpu.core_type = #tpu.core_type<sc_vector_subcore>, window_params = [{transform_indices = #map}, {transform_indices = #map}, {transform_indices = #map}]} {
    %mul3A = arith.constant 2 : i32
    %mul3A_0 = arith.muli %arg1, %mul3A : i32
    %add3A = arith.addi %mul3A_0, %arg0 : i32
    %lt3A = arith.constant 11 : i32
    %lt3A_1 = arith.cmpi slt, %add3A, %lt3A : i32
    %jit3A = arith.constant 21 : i32
    %jit3A_2 = arith.constant 20 : i32
    %select_n3A = arith.select %lt3A_1, %jit3A, %jit3A_2 : i32
    %iota3A = tpu.iota {dimensions = array<i32: 0>} : vector<16xi32>
    %mul3A_3 = arith.constant 1536 : i32
    %mul3A_4 = arith.muli %add3A, %mul3A_3 : i32
    %dma_start3A = arith.constant 0 : i32
    %dma_start3A_5 = arith.constant 0 : i32
    %dma_start3A_6 = tpu.memref_slice %arg5[%dma_start3A, %dma_start3A_5] : memref<16x1537xf32, #tpu.memory_space<vmem>> -> memref<8x1536xf32, #tpu.memory_space<vmem>>
    %dma_start3A_7 = arith.constant 0 : i32
    %dma_start3A_8 = tpu.memref_slice %arg2[%dma_start3A_7, %mul3A_4] : memref<16x1000000xf32, #tpu.memory_space<hbm>> -> memref<8x1536xf32, #tpu.memory_space<hbm>>
    %dma_start3A_9 = arith.constant 0 : i32
    %dma_start3A_10 = arith.constant 0 : i32
    %dma_start3A_11 = tpu.memref_slice %arg5[%dma_start3A_9, %dma_start3A_10] : memref<16x1537xf32, #tpu.memory_space<vmem>> -> memref<8x1536xf32, #tpu.memory_space<vmem>>
    %dma_start3A_12 = arith.constant 0 : i32
    %dma_start3A_13 = tpu.memref_slice %arg2[%dma_start3A_12, %mul3A_4] : memref<16x1000000xf32, #tpu.memory_space<hbm>> -> memref<8x1536xf32, #tpu.memory_space<hbm>>
    tpu.enqueue_dma source(%dma_start3A_13 : memref<8x1536xf32, #tpu.memory_space<hbm>>) target(%dma_start3A_11 : memref<8x1536xf32, #tpu.memory_space<vmem>>) target_semaphore(%arg10 : memref<!tpu.dma_semaphore, #tpu.memory_space<semaphore_mem>>)
    %dma_start3A_14 = arith.constant 8 : i32
    %dma_start3A_15 = arith.constant 0 : i32
    %dma_start3A_16 = tpu.memref_slice %arg5[%dma_start3A_14, %dma_start3A_15] : memref<16x1537xf32, #tpu.memory_space<vmem>> -> memref<8x1536xf32, #tpu.memory_space<vmem>>
    %dma_start3A_17 = arith.constant 8 : i32
    %dma_start3A_18 = tpu.memref_slice %arg2[%dma_start3A_17, %mul3A_4] : memref<16x1000000xf32, #tpu.memory_space<hbm>> -> memref<8x1536xf32, #tpu.memory_space<hbm>>
    %dma_start3A_19 = arith.constant 8 : i32
    %dma_start3A_20 = arith.constant 0 : i32
    %dma_start3A_21 = tpu.memref_slice %arg5[%dma_start3A_19, %dma_start3A_20] : memref<16x1537xf32, #tpu.memory_space<vmem>> -> memref<8x1536xf32, #tpu.memory_space<vmem>>
    %dma_start3A_22 = arith.constant 8 : i32
    %dma_start3A_23 = tpu.memref_slice %arg2[%dma_start3A_22, %mul3A_4] : memref<16x1000000xf32, #tpu.memory_space<hbm>> -> memref<8x1536xf32, #tpu.memory_space<hbm>>
    tpu.enqueue_dma source(%dma_start3A_23 : memref<8x1536xf32, #tpu.memory_space<hbm>>) target(%dma_start3A_21 : memref<8x1536xf32, #tpu.memory_space<vmem>>) target_semaphore(%arg10 : memref<!tpu.dma_semaphore, #tpu.memory_space<semaphore_mem>>)
    %scan3A = arith.constant 0 : i32
    %scan3A_24 = arith.constant 0 : i32
    %scan3A_25 = arith.constant 11 : i32
    %scan3A_26 = arith.addi %scan3A_24, %scan3A_25 : i32
    %scan3A_27 = arith.constant 1 : i32
    %scan3A_28 = scf.for %scan3A_43 = %scan3A_24 to %scan3A_26 step %scan3A_27 iter_args(%scan3A_44 = %scan3A) -> (i32)  : i32 {
      %mul3A_45 = arith.constant 2 : i32
      %mul3A_46 = arith.muli %mul3A_45, %scan3A_43 : i32
      %mul3A_47 = arith.constant 2 : i32
      %mul3A_48 = arith.muli %mul3A_47, %scan3A_43 : i32
      %add3A_49 = arith.constant 1 : i32
      %add3A_50 = arith.addi %mul3A_48, %add3A_49 : i32
      %mul3A_51 = arith.constant 32 : i32
      %mul3A_52 = arith.muli %mul3A_51, %mul3A_46 : i32
      %add3A_53 = arith.addi %add3A, %mul3A_52 : i32
      %mul3A_54 = arith.constant 32 : i32
      %mul3A_55 = arith.muli %mul3A_54, %add3A_50 : i32
      %add3A_56 = arith.addi %add3A, %mul3A_55 : i32
      %lt3A_57 = arith.cmpi slt, %add3A_50, %select_n3A : i32
      %convert_element_type3A_58 = arith.extui %lt3A_57 : i1 to i32
      %cond3A_59 = arith.constant 0 : i32
      %cond3A_60 = arith.cmpi ne, %convert_element_type3A_58, %cond3A_59 : i32
      scf.if %cond3A_60 {
        %mul3A_76 = arith.constant 1536 : i32
        %mul3A_77 = arith.muli %add3A_56, %mul3A_76 : i32
        %dma_start3A_78 = arith.constant 0 : i32
        %dma_start3A_79 = arith.constant 0 : i32
        %dma_start3A_80 = tpu.memref_slice %arg6[%dma_start3A_78, %dma_start3A_79] : memref<16x1537xf32, #tpu.memory_space<vmem>> -> memref<8x1536xf32, #tpu.memory_space<vmem>>
        %dma_start3A_81 = arith.constant 0 : i32
        %dma_start3A_82 = tpu.memref_slice %arg2[%dma_start3A_81, %mul3A_77] : memref<16x1000000xf32, #tpu.memory_space<hbm>> -> memref<8x1536xf32, #tpu.memory_space<hbm>>
        %dma_start3A_83 = arith.constant 0 : i32
        %dma_start3A_84 = arith.constant 0 : i32
        %dma_start3A_85 = tpu.memref_slice %arg6[%dma_start3A_83, %dma_start3A_84] : memref<16x1537xf32, #tpu.memory_space<vmem>> -> memref<8x1536xf32, #tpu.memory_space<vmem>>
        %dma_start3A_86 = arith.constant 0 : i32
        %dma_start3A_87 = tpu.memref_slice %arg2[%dma_start3A_86, %mul3A_77] : memref<16x1000000xf32, #tpu.memory_space<hbm>> -> memref<8x1536xf32, #tpu.memory_space<hbm>>
        tpu.enqueue_dma source(%dma_start3A_87 : memref<8x1536xf32, #tpu.memory_space<hbm>>) target(%dma_start3A_85 : memref<8x1536xf32, #tpu.memory_space<vmem>>) target_semaphore(%arg11 : memref<!tpu.dma_semaphore, #tpu.memory_space<semaphore_mem>>)
        %dma_start3A_88 = arith.constant 8 : i32
        %dma_start3A_89 = arith.constant 0 : i32
        %dma_start3A_90 = tpu.memref_slice %arg6[%dma_start3A_88, %dma_start3A_89] : memref<16x1537xf32, #tpu.memory_space<vmem>> -> memref<8x1536xf32, #tpu.memory_space<vmem>>
        %dma_start3A_91 = arith.constant 8 : i32
        %dma_start3A_92 = tpu.memref_slice %arg2[%dma_start3A_91, %mul3A_77] : memref<16x1000000xf32, #tpu.memory_space<hbm>> -> memref<8x1536xf32, #tpu.memory_space<hbm>>
        %dma_start3A_93 = arith.constant 8 : i32
        %dma_start3A_94 = arith.constant 0 : i32
        %dma_start3A_95 = tpu.memref_slice %arg6[%dma_start3A_93, %dma_start3A_94] : memref<16x1537xf32, #tpu.memory_space<vmem>> -> memref<8x1536xf32, #tpu.memory_space<vmem>>
        %dma_start3A_96 = arith.constant 8 : i32
        %dma_start3A_97 = tpu.memref_slice %arg2[%dma_start3A_96, %mul3A_77] : memref<16x1000000xf32, #tpu.memory_space<hbm>> -> memref<8x1536xf32, #tpu.memory_space<hbm>>
        tpu.enqueue_dma source(%dma_start3A_97 : memref<8x1536xf32, #tpu.memory_space<hbm>>) target(%dma_start3A_95 : memref<8x1536xf32, #tpu.memory_space<vmem>>) target_semaphore(%arg11 : memref<!tpu.dma_semaphore, #tpu.memory_space<semaphore_mem>>)
      } else {
      }
      %lt3A_61 = arith.cmpi slt, %mul3A_46, %select_n3A : i32
      %convert_element_type3A_62 = arith.extui %lt3A_61 : i1 to i32
      %cond3A_63 = arith.constant 0 : i32
      %cond3A_64 = arith.cmpi ne, %convert_element_type3A_62, %cond3A_63 : i32
      scf.if %cond3A_64 {
        %mul3A_76 = arith.constant 1536 : i32
        %mul3A_77 = arith.muli %add3A_53, %mul3A_76 : i32
        %dma_wait3A_78 = arith.constant 0 : i32
        %dma_wait3A_79 = arith.constant 0 : i32
        %dma_wait3A_80 = tpu.memref_slice %arg5[%dma_wait3A_78, %dma_wait3A_79] : memref<16x1537xf32, #tpu.memory_space<vmem>> -> memref<8x1536xf32, #tpu.memory_space<vmem>>
        %dma_wait3A_81 = arith.constant 0 : i32
        %dma_wait3A_82 = tpu.memref_slice %arg2[%dma_wait3A_81, %mul3A_77] : memref<16x1000000xf32, #tpu.memory_space<hbm>> -> memref<8x1536xf32, #tpu.memory_space<hbm>>
        %dma_wait3A_83 = arith.constant 0 : i32
        %dma_wait3A_84 = arith.constant 0 : i32
        %dma_wait3A_85 = tpu.memref_slice %arg5[%dma_wait3A_83, %dma_wait3A_84] : memref<16x1537xf32, #tpu.memory_space<vmem>> -> memref<8x1536xf32, #tpu.memory_space<vmem>>
        %dma_wait3A_86 = arith.constant 0 : i32
        %dma_wait3A_87 = tpu.memref_slice %arg2[%dma_wait3A_86, %mul3A_77] : memref<16x1000000xf32, #tpu.memory_space<hbm>> -> memref<8x1536xf32, #tpu.memory_space<hbm>>
        tpu.wait_dma2 semaphore(%arg10 : memref<!tpu.dma_semaphore, #tpu.memory_space<semaphore_mem>>) src(%dma_wait3A_87 : memref<8x1536xf32, #tpu.memory_space<hbm>>) dst(%dma_wait3A_85 : memref<8x1536xf32, #tpu.memory_space<vmem>>)
        %dma_wait3A_88 = arith.constant 8 : i32
        %dma_wait3A_89 = arith.constant 0 : i32
        %dma_wait3A_90 = tpu.memref_slice %arg5[%dma_wait3A_88, %dma_wait3A_89] : memref<16x1537xf32, #tpu.memory_space<vmem>> -> memref<8x1536xf32, #tpu.memory_space<vmem>>
        %dma_wait3A_91 = arith.constant 8 : i32
        %dma_wait3A_92 = tpu.memref_slice %arg2[%dma_wait3A_91, %mul3A_77] : memref<16x1000000xf32, #tpu.memory_space<hbm>> -> memref<8x1536xf32, #tpu.memory_space<hbm>>
        %dma_wait3A_93 = arith.constant 8 : i32
        %dma_wait3A_94 = arith.constant 0 : i32
        %dma_wait3A_95 = tpu.memref_slice %arg5[%dma_wait3A_93, %dma_wait3A_94] : memref<16x1537xf32, #tpu.memory_space<vmem>> -> memref<8x1536xf32, #tpu.memory_space<vmem>>
        %dma_wait3A_96 = arith.constant 8 : i32
        %dma_wait3A_97 = tpu.memref_slice %arg2[%dma_wait3A_96, %mul3A_77] : memref<16x1000000xf32, #tpu.memory_space<hbm>> -> memref<8x1536xf32, #tpu.memory_space<hbm>>
        tpu.wait_dma2 semaphore(%arg10 : memref<!tpu.dma_semaphore, #tpu.memory_space<semaphore_mem>>) src(%dma_wait3A_97 : memref<8x1536xf32, #tpu.memory_space<hbm>>) dst(%dma_wait3A_95 : memref<8x1536xf32, #tpu.memory_space<vmem>>)
        %ge3A = arith.constant 2 : i32
        %ge3A_98 = arith.cmpi sge, %mul3A_46, %ge3A : i32
        %convert_element_type3A_99 = arith.extui %ge3A_98 : i1 to i32
        %cond3A_100 = arith.constant 0 : i32
        %cond3A_101 = arith.cmpi ne, %convert_element_type3A_99, %cond3A_100 : i32
        scf.if %cond3A_101 {
          %dma_wait3A_112 = arith.constant 0 : i32
          %dma_wait3A_113 = arith.constant 0 : i32
          %dma_wait3A_114 = tpu.memref_slice %arg4[%dma_wait3A_112, %dma_wait3A_113] : memref<125000x128xf32, #tpu.memory_space<hbm>> -> memref<192x128xf32, #tpu.memory_space<hbm>>
          %dma_wait3A_115 = arith.constant 0 : i32
          %dma_wait3A_116 = arith.constant 0 : i32
          %dma_wait3A_117 = tpu.memref_slice %arg4[%dma_wait3A_115, %dma_wait3A_116] : memref<125000x128xf32, #tpu.memory_space<hbm>> -> memref<192x128xf32, #tpu.memory_space<hbm>>
          tpu.wait_dma2 semaphore(%arg12 : memref<!tpu.dma_semaphore, #tpu.memory_space<semaphore_mem>>) src(%arg7 : memref<192x128xf32, #tpu.memory_space<vmem>>) dst(%dma_wait3A_117 : memref<192x128xf32, #tpu.memory_space<hbm>>)
        } else {
        }
        %broadcast_in_dim3A = arith.constant 0 : i32
        %broadcast_in_dim3A_102 = vector.broadcast %broadcast_in_dim3A : i32 to vector<16xi32>
        %parallel_loop3A = arith.constant 0 : i32
        %parallel_loop3A_103 = arith.constant 1536 : i32
        %parallel_loop3A_104 = arith.constant 1 : i32
        %parallel_loop3A_105 = scf.for %parallel_loop3A_112 = %parallel_loop3A to %parallel_loop3A_103 step %parallel_loop3A_104 iter_args(%parallel_loop3A_113 = %broadcast_in_dim3A_102) -> (vector<16xi32>)  : i32 {
          %parallel_loop3A_114 = tpu.vector_load_idx %arg5[%iota3A, %parallel_loop3A_113] : memref<16x1537xf32, #tpu.memory_space<vmem>>[vector<16xi32>, vector<16xi32>], vector<16xf32>,
          %parallel_loop3A_115 = arith.constant 3 : i32
          %parallel_loop3A_116 = arith.shrsi %parallel_loop3A_112, %parallel_loop3A_115 : i32
          %parallel_loop3A_117 = arith.constant 7 : i32
          %parallel_loop3A_118 = arith.andi %parallel_loop3A_112, %parallel_loop3A_117 : i32
          %parallel_loop3A_119 = arith.constant 16 : i32
          %parallel_loop3A_120 = arith.muli %parallel_loop3A_118, %parallel_loop3A_119 : i32
          %parallel_loop3A_121 = arith.index_cast %parallel_loop3A_116 : i32 to index
          %parallel_loop3A_122 = arith.index_cast %parallel_loop3A_120 : i32 to index
          %parallel_loop3A_123 = tpu.vector_load %arg7[%parallel_loop3A_121, %parallel_loop3A_122] {strides = array<i32>} : memref<192x128xf32, #tpu.memory_space<vmem>>, vector<16xf32>,
          tpu.vector_store %arg7[%parallel_loop3A_121, %parallel_loop3A_122], %parallel_loop3A_114 {strides = array<i32>} : memref<192x128xf32, #tpu.memory_space<vmem>>, vector<16xf32>,
          %parallel_loop3A_124 = arith.constant 1 : i32
          %parallel_loop3A_125 = vector.broadcast %parallel_loop3A_124 : i32 to vector<16xi32>
          %parallel_loop3A_126 = arith.addi %parallel_loop3A_113, %parallel_loop3A_125 : vector<16xi32>
          scf.yield %parallel_loop3A_126 : vector<16xi32>
        } {sc.loop_unroll_factor = 16 : i64, sc.parallel_access}
        %mul3A_106 = arith.constant 192 : i32
        %mul3A_107 = arith.muli %add3A_53, %mul3A_106 : i32
        %dma_start3A_108 = arith.constant 0 : i32
        %dma_start3A_109 = tpu.memref_slice %arg4[%mul3A_107, %dma_start3A_108] : memref<125000x128xf32, #tpu.memory_space<hbm>> -> memref<192x128xf32, #tpu.memory_space<hbm>>
        %dma_start3A_110 = arith.constant 0 : i32
        %dma_start3A_111 = tpu.memref_slice %arg4[%mul3A_107, %dma_start3A_110] : memref<125000x128xf32, #tpu.memory_space<hbm>> -> memref<192x128xf32, #tpu.memory_space<hbm>>
        tpu.enqueue_dma source(%arg7 : memref<192x128xf32, #tpu.memory_space<vmem>>) target(%dma_start3A_111 : memref<192x128xf32, #tpu.memory_space<hbm>>) target_semaphore(%arg12 : memref<!tpu.dma_semaphore, #tpu.memory_space<semaphore_mem>>)
      } else {
      }
      %add3A_65 = arith.constant 2 : i32
      %add3A_66 = arith.addi %mul3A_46, %add3A_65 : i32
      %lt3A_67 = arith.cmpi slt, %add3A_66, %select_n3A : i32
      %convert_element_type3A_68 = arith.extui %lt3A_67 : i1 to i32
      %cond3A_69 = arith.constant 0 : i32
      %cond3A_70 = arith.cmpi ne, %convert_element_type3A_68, %cond3A_69 : i32
      scf.if %cond3A_70 {
        %add3A_76 = arith.constant 64 : i32
        %add3A_77 = arith.addi %add3A_53, %add3A_76 : i32
        %mul3A_78 = arith.constant 1536 : i32
        %mul3A_79 = arith.muli %add3A_77, %mul3A_78 : i32
        %dma_start3A_80 = arith.constant 0 : i32
        %dma_start3A_81 = arith.constant 0 : i32
        %dma_start3A_82 = tpu.memref_slice %arg5[%dma_start3A_80, %dma_start3A_81] : memref<16x1537xf32, #tpu.memory_space<vmem>> -> memref<8x1536xf32, #tpu.memory_space<vmem>>
        %dma_start3A_83 = arith.constant 0 : i32
        %dma_start3A_84 = tpu.memref_slice %arg2[%dma_start3A_83, %mul3A_79] : memref<16x1000000xf32, #tpu.memory_space<hbm>> -> memref<8x1536xf32, #tpu.memory_space<hbm>>
        %dma_start3A_85 = arith.constant 0 : i32
        %dma_start3A_86 = arith.constant 0 : i32
        %dma_start3A_87 = tpu.memref_slice %arg5[%dma_start3A_85, %dma_start3A_86] : memref<16x1537xf32, #tpu.memory_space<vmem>> -> memref<8x1536xf32, #tpu.memory_space<vmem>>
        %dma_start3A_88 = arith.constant 0 : i32
        %dma_start3A_89 = tpu.memref_slice %arg2[%dma_start3A_88, %mul3A_79] : memref<16x1000000xf32, #tpu.memory_space<hbm>> -> memref<8x1536xf32, #tpu.memory_space<hbm>>
        tpu.enqueue_dma source(%dma_start3A_89 : memref<8x1536xf32, #tpu.memory_space<hbm>>) target(%dma_start3A_87 : memref<8x1536xf32, #tpu.memory_space<vmem>>) target_semaphore(%arg10 : memref<!tpu.dma_semaphore, #tpu.memory_space<semaphore_mem>>)
        %dma_start3A_90 = arith.constant 8 : i32
        %dma_start3A_91 = arith.constant 0 : i32
        %dma_start3A_92 = tpu.memref_slice %arg5[%dma_start3A_90, %dma_start3A_91] : memref<16x1537xf32, #tpu.memory_space<vmem>> -> memref<8x1536xf32, #tpu.memory_space<vmem>>
        %dma_start3A_93 = arith.constant 8 : i32
        %dma_start3A_94 = tpu.memref_slice %arg2[%dma_start3A_93, %mul3A_79] : memref<16x1000000xf32, #tpu.memory_space<hbm>> -> memref<8x1536xf32, #tpu.memory_space<hbm>>
        %dma_start3A_95 = arith.constant 8 : i32
        %dma_start3A_96 = arith.constant 0 : i32
        %dma_start3A_97 = tpu.memref_slice %arg5[%dma_start3A_95, %dma_start3A_96] : memref<16x1537xf32, #tpu.memory_space<vmem>> -> memref<8x1536xf32, #tpu.memory_space<vmem>>
        %dma_start3A_98 = arith.constant 8 : i32
        %dma_start3A_99 = tpu.memref_slice %arg2[%dma_start3A_98, %mul3A_79] : memref<16x1000000xf32, #tpu.memory_space<hbm>> -> memref<8x1536xf32, #tpu.memory_space<hbm>>
        tpu.enqueue_dma source(%dma_start3A_99 : memref<8x1536xf32, #tpu.memory_space<hbm>>) target(%dma_start3A_97 : memref<8x1536xf32, #tpu.memory_space<vmem>>) target_semaphore(%arg10 : memref<!tpu.dma_semaphore, #tpu.memory_space<semaphore_mem>>)
      } else {
      }
      %lt3A_71 = arith.cmpi slt, %add3A_50, %select_n3A : i32
      %convert_element_type3A_72 = arith.extui %lt3A_71 : i1 to i32
      %cond3A_73 = arith.constant 0 : i32
      %cond3A_74 = arith.cmpi ne, %convert_element_type3A_72, %cond3A_73 : i32
      scf.if %cond3A_74 {
        %mul3A_76 = arith.constant 1536 : i32
        %mul3A_77 = arith.muli %add3A_56, %mul3A_76 : i32
        %dma_wait3A_78 = arith.constant 0 : i32
        %dma_wait3A_79 = arith.constant 0 : i32
        %dma_wait3A_80 = tpu.memref_slice %arg6[%dma_wait3A_78, %dma_wait3A_79] : memref<16x1537xf32, #tpu.memory_space<vmem>> -> memref<8x1536xf32, #tpu.memory_space<vmem>>
        %dma_wait3A_81 = arith.constant 0 : i32
        %dma_wait3A_82 = tpu.memref_slice %arg2[%dma_wait3A_81, %mul3A_77] : memref<16x1000000xf32, #tpu.memory_space<hbm>> -> memref<8x1536xf32, #tpu.memory_space<hbm>>
        %dma_wait3A_83 = arith.constant 0 : i32
        %dma_wait3A_84 = arith.constant 0 : i32
        %dma_wait3A_85 = tpu.memref_slice %arg6[%dma_wait3A_83, %dma_wait3A_84] : memref<16x1537xf32, #tpu.memory_space<vmem>> -> memref<8x1536xf32, #tpu.memory_space<vmem>>
        %dma_wait3A_86 = arith.constant 0 : i32
        %dma_wait3A_87 = tpu.memref_slice %arg2[%dma_wait3A_86, %mul3A_77] : memref<16x1000000xf32, #tpu.memory_space<hbm>> -> memref<8x1536xf32, #tpu.memory_space<hbm>>
        tpu.wait_dma2 semaphore(%arg11 : memref<!tpu.dma_semaphore, #tpu.memory_space<semaphore_mem>>) src(%dma_wait3A_87 : memref<8x1536xf32, #tpu.memory_space<hbm>>) dst(%dma_wait3A_85 : memref<8x1536xf32, #tpu.memory_space<vmem>>)
        %dma_wait3A_88 = arith.constant 8 : i32
        %dma_wait3A_89 = arith.constant 0 : i32
        %dma_wait3A_90 = tpu.memref_slice %arg6[%dma_wait3A_88, %dma_wait3A_89] : memref<16x1537xf32, #tpu.memory_space<vmem>> -> memref<8x1536xf32, #tpu.memory_space<vmem>>
        %dma_wait3A_91 = arith.constant 8 : i32
        %dma_wait3A_92 = tpu.memref_slice %arg2[%dma_wait3A_91, %mul3A_77] : memref<16x1000000xf32, #tpu.memory_space<hbm>> -> memref<8x1536xf32, #tpu.memory_space<hbm>>
        %dma_wait3A_93 = arith.constant 8 : i32
        %dma_wait3A_94 = arith.constant 0 : i32
        %dma_wait3A_95 = tpu.memref_slice %arg6[%dma_wait3A_93, %dma_wait3A_94] : memref<16x1537xf32, #tpu.memory_space<vmem>> -> memref<8x1536xf32, #tpu.memory_space<vmem>>
        %dma_wait3A_96 = arith.constant 8 : i32
        %dma_wait3A_97 = tpu.memref_slice %arg2[%dma_wait3A_96, %mul3A_77] : memref<16x1000000xf32, #tpu.memory_space<hbm>> -> memref<8x1536xf32, #tpu.memory_space<hbm>>
        tpu.wait_dma2 semaphore(%arg11 : memref<!tpu.dma_semaphore, #tpu.memory_space<semaphore_mem>>) src(%dma_wait3A_97 : memref<8x1536xf32, #tpu.memory_space<hbm>>) dst(%dma_wait3A_95 : memref<8x1536xf32, #tpu.memory_space<vmem>>)
        %ge3A = arith.constant 2 : i32
        %ge3A_98 = arith.cmpi sge, %add3A_50, %ge3A : i32
        %convert_element_type3A_99 = arith.extui %ge3A_98 : i1 to i32
        %cond3A_100 = arith.constant 0 : i32
        %cond3A_101 = arith.cmpi ne, %convert_element_type3A_99, %cond3A_100 : i32
        scf.if %cond3A_101 {
          %dma_wait3A_112 = arith.constant 0 : i32
          %dma_wait3A_113 = arith.constant 0 : i32
          %dma_wait3A_114 = tpu.memref_slice %arg4[%dma_wait3A_112, %dma_wait3A_113] : memref<125000x128xf32, #tpu.memory_space<hbm>> -> memref<192x128xf32, #tpu.memory_space<hbm>>
          %dma_wait3A_115 = arith.constant 0 : i32
          %dma_wait3A_116 = arith.constant 0 : i32
          %dma_wait3A_117 = tpu.memref_slice %arg4[%dma_wait3A_115, %dma_wait3A_116] : memref<125000x128xf32, #tpu.memory_space<hbm>> -> memref<192x128xf32, #tpu.memory_space<hbm>>
          tpu.wait_dma2 semaphore(%arg13 : memref<!tpu.dma_semaphore, #tpu.memory_space<semaphore_mem>>) src(%arg8 : memref<192x128xf32, #tpu.memory_space<vmem>>) dst(%dma_wait3A_117 : memref<192x128xf32, #tpu.memory_space<hbm>>)
        } else {
        }
        %broadcast_in_dim3A = arith.constant 0 : i32
        %broadcast_in_dim3A_102 = vector.broadcast %broadcast_in_dim3A : i32 to vector<16xi32>
        %parallel_loop3A = arith.constant 0 : i32
        %parallel_loop3A_103 = arith.constant 1536 : i32
        %parallel_loop3A_104 = arith.constant 1 : i32
        %parallel_loop3A_105 = scf.for %parallel_loop3A_112 = %parallel_loop3A to %parallel_loop3A_103 step %parallel_loop3A_104 iter_args(%parallel_loop3A_113 = %broadcast_in_dim3A_102) -> (vector<16xi32>)  : i32 {
          %parallel_loop3A_114 = tpu.vector_load_idx %arg6[%iota3A, %parallel_loop3A_113] : memref<16x1537xf32, #tpu.memory_space<vmem>>[vector<16xi32>, vector<16xi32>], vector<16xf32>,
          %parallel_loop3A_115 = arith.constant 3 : i32
          %parallel_loop3A_116 = arith.shrsi %parallel_loop3A_112, %parallel_loop3A_115 : i32
          %parallel_loop3A_117 = arith.constant 7 : i32
          %parallel_loop3A_118 = arith.andi %parallel_loop3A_112, %parallel_loop3A_117 : i32
          %parallel_loop3A_119 = arith.constant 16 : i32
          %parallel_loop3A_120 = arith.muli %parallel_loop3A_118, %parallel_loop3A_119 : i32
          %parallel_loop3A_121 = arith.index_cast %parallel_loop3A_116 : i32 to index
          %parallel_loop3A_122 = arith.index_cast %parallel_loop3A_120 : i32 to index
          %parallel_loop3A_123 = tpu.vector_load %arg8[%parallel_loop3A_121, %parallel_loop3A_122] {strides = array<i32>} : memref<192x128xf32, #tpu.memory_space<vmem>>, vector<16xf32>,
          tpu.vector_store %arg8[%parallel_loop3A_121, %parallel_loop3A_122], %parallel_loop3A_114 {strides = array<i32>} : memref<192x128xf32, #tpu.memory_space<vmem>>, vector<16xf32>,
          %parallel_loop3A_124 = arith.constant 1 : i32
          %parallel_loop3A_125 = vector.broadcast %parallel_loop3A_124 : i32 to vector<16xi32>
          %parallel_loop3A_126 = arith.addi %parallel_loop3A_113, %parallel_loop3A_125 : vector<16xi32>
          scf.yield %parallel_loop3A_126 : vector<16xi32>
        } {sc.loop_unroll_factor = 16 : i64, sc.parallel_access}
        %mul3A_106 = arith.constant 192 : i32
        %mul3A_107 = arith.muli %add3A_56, %mul3A_106 : i32
        %dma_start3A_108 = arith.constant 0 : i32
        %dma_start3A_109 = tpu.memref_slice %arg4[%mul3A_107, %dma_start3A_108] : memref<125000x128xf32, #tpu.memory_space<hbm>> -> memref<192x128xf32, #tpu.memory_space<hbm>>
        %dma_start3A_110 = arith.constant 0 : i32
        %dma_start3A_111 = tpu.memref_slice %arg4[%mul3A_107, %dma_start3A_110] : memref<125000x128xf32, #tpu.memory_space<hbm>> -> memref<192x128xf32, #tpu.memory_space<hbm>>
        tpu.enqueue_dma source(%arg8 : memref<192x128xf32, #tpu.memory_space<vmem>>) target(%dma_start3A_111 : memref<192x128xf32, #tpu.memory_space<hbm>>) target_semaphore(%arg13 : memref<!tpu.dma_semaphore, #tpu.memory_space<semaphore_mem>>)
      } else {
      }
      %scan3A_75 = arith.constant 0 : i32
      scf.yield %scan3A_75 : i32
    }
    %scan3A_29 = arith.constant 11 : i32
    %dma_wait3A = arith.constant 0 : i32
    %dma_wait3A_30 = arith.constant 0 : i32
    %dma_wait3A_31 = tpu.memref_slice %arg4[%dma_wait3A, %dma_wait3A_30] : memref<125000x128xf32, #tpu.memory_space<hbm>> -> memref<192x128xf32, #tpu.memory_space<hbm>>
    %dma_wait3A_32 = arith.constant 0 : i32
    %dma_wait3A_33 = arith.constant 0 : i32
    %dma_wait3A_34 = tpu.memref_slice %arg4[%dma_wait3A_32, %dma_wait3A_33] : memref<125000x128xf32, #tpu.memory_space<hbm>> -> memref<192x128xf32, #tpu.memory_space<hbm>>
    tpu.wait_dma2 semaphore(%arg12 : memref<!tpu.dma_semaphore, #tpu.memory_space<semaphore_mem>>) src(%arg7 : memref<192x128xf32, #tpu.memory_space<vmem>>) dst(%dma_wait3A_34 : memref<192x128xf32, #tpu.memory_space<hbm>>)
    %dma_wait3A_35 = arith.constant 0 : i32
    %dma_wait3A_36 = arith.constant 0 : i32
    %dma_wait3A_37 = tpu.memref_slice %arg4[%dma_wait3A_35, %dma_wait3A_36] : memref<125000x128xf32, #tpu.memory_space<hbm>> -> memref<192x128xf32, #tpu.memory_space<hbm>>
    %dma_wait3A_38 = arith.constant 0 : i32
    %dma_wait3A_39 = arith.constant 0 : i32
    %dma_wait3A_40 = tpu.memref_slice %arg4[%dma_wait3A_38, %dma_wait3A_39] : memref<125000x128xf32, #tpu.memory_space<hbm>> -> memref<192x128xf32, #tpu.memory_space<hbm>>
    tpu.wait_dma2 semaphore(%arg13 : memref<!tpu.dma_semaphore, #tpu.memory_space<semaphore_mem>>) src(%arg8 : memref<192x128xf32, #tpu.memory_space<vmem>>) dst(%dma_wait3A_40 : memref<192x128xf32, #tpu.memory_space<hbm>>)
    %eq3A = arith.constant 31 : i32
    %eq3A_41 = arith.cmpi eq, %add3A, %eq3A : i32
    %convert_element_type3A = arith.extui %eq3A_41 : i1 to i32
    %cond3A = arith.constant 0 : i32
    %cond3A_42 = arith.cmpi ne, %convert_element_type3A, %cond3A : i32
    scf.if %cond3A_42 {
      "tpu.region"() ({
        %run_scoped3A = tpu.sem_alloc : memref<!tpu.dma_semaphore, #tpu.memory_space<semaphore_mem>>
        tpu.enqueue_dma source(%arg3 : memref<8x128xf32, #tpu.memory_space<hbm>>) target(%arg9 : memref<8x128xf32, #tpu.memory_space<vmem>>) target_semaphore(%run_scoped3A : memref<!tpu.dma_semaphore, #tpu.memory_space<semaphore_mem>>)
        tpu.wait_dma2 semaphore(%run_scoped3A : memref<!tpu.dma_semaphore, #tpu.memory_space<semaphore_mem>>) src(%arg3 : memref<8x128xf32, #tpu.memory_space<hbm>>) dst(%arg9 : memref<8x128xf32, #tpu.memory_space<vmem>>)
        tpu.yield
      }) : () -> ()
      "tpu.region"() ({
        %run_scoped3A = tpu.sem_alloc : memref<!tpu.dma_semaphore, #tpu.memory_space<semaphore_mem>>
        %dma_start3A_43 = arith.constant 124992 : i32
        %dma_start3A_44 = arith.constant 0 : i32
        %dma_start3A_45 = tpu.memref_slice %arg4[%dma_start3A_43, %dma_start3A_44] : memref<125000x128xf32, #tpu.memory_space<hbm>> -> memref<8x128xf32, #tpu.memory_space<hbm>>
        %dma_start3A_46 = arith.constant 124992 : i32
        %dma_start3A_47 = arith.constant 0 : i32
        %dma_start3A_48 = tpu.memref_slice %arg4[%dma_start3A_46, %dma_start3A_47] : memref<125000x128xf32, #tpu.memory_space<hbm>> -> memref<8x128xf32, #tpu.memory_space<hbm>>
        tpu.enqueue_dma source(%arg9 : memref<8x128xf32, #tpu.memory_space<vmem>>) target(%dma_start3A_48 : memref<8x128xf32, #tpu.memory_space<hbm>>) target_semaphore(%run_scoped3A : memref<!tpu.dma_semaphore, #tpu.memory_space<semaphore_mem>>)
        %dma_wait3A_49 = arith.constant 124992 : i32
        %dma_wait3A_50 = arith.constant 0 : i32
        %dma_wait3A_51 = tpu.memref_slice %arg4[%dma_wait3A_49, %dma_wait3A_50] : memref<125000x128xf32, #tpu.memory_space<hbm>> -> memref<8x128xf32, #tpu.memory_space<hbm>>
        %dma_wait3A_52 = arith.constant 124992 : i32
        %dma_wait3A_53 = arith.constant 0 : i32
        %dma_wait3A_54 = tpu.memref_slice %arg4[%dma_wait3A_52, %dma_wait3A_53] : memref<125000x128xf32, #tpu.memory_space<hbm>> -> memref<8x128xf32, #tpu.memory_space<hbm>>
        tpu.wait_dma2 semaphore(%run_scoped3A : memref<!tpu.dma_semaphore, #tpu.memory_space<semaphore_mem>>) src(%arg9 : memref<8x128xf32, #tpu.memory_space<vmem>>) dst(%dma_wait3A_54 : memref<8x128xf32, #tpu.memory_space<hbm>>)
        tpu.yield
      }) : () -> ()
    } else {
    }
    return
  }
}

</mosaic_0001>

<sc_bundles>
// kernel: kernel.4.cloned.1.call-start
scs
__scs_entry_jumppad:
0x0: {  	(pc) =	sbr.rel $0x88, $3  }
0x1: {  	(tag) =	ssettag $0x0;
	lr =	simm.s32 $0x1  }
0x2: {  	[smem:$0x3F9F] =	sst lr;
	_ =	strace $0xD0000000  }
0x3: {  	_ = 	snop  }
0x4: {  	_ = 	snop  }
0x5: {  	_ = 	snop  }
0x6: {  	_ = 	snop  }
0x7: {  	_ = 	snop  }
__scs_overlays_trampoline_lowered:
0x8: {  	[smem:$0x3FAE] =	sst s0  }
0x9: {  	[smem:$0x3FAF] =	sst s1  }
0xa: {  	[smem:$0x3FB0] =	sst s2  }
0xb: {  	[smem:$0x3FB1] =	sst s3  }
0xc: {  	[smem:$0x3FB2] =	sst s4  }
0xd: {  	[smem:$0x3FB3] =	sst s5  }
0xe: {  	[smem:$0x3FB4] =	sst s6  }
0xf: {  	[smem:$0x3FB5] =	sst s7  }
0x10: {  	[smem:$0x3FB6] =	sst s8  }
0x11: {  	[smem:$0x3FB7] =	sst s9;
	s0 =	simm.s32 @!p0 $0x0  }
0x12: {  	s1 =	sld [smem:$0x3F9D];
	s0 =	simm.s32 @p0 $0x1  }
0x13: {  	[smem:$0x3FB8] =	sst s0;
	s0 =	simm.s32 @!p1 $0x0  }
0x14: {  	s2 =	sld [smem:$0x3F9C];
	s0 =	simm.s32 @p1 $0x1  }
0x15: {  	[smem:$0x3FB9] =	sst s0;
	s0 =	simm.s32 @!p2 $0x0  }
0x16: {  	s3 =	sld [smem:$0x3FDB];
	s0 =	simm.s32 @p2 $0x1  }
0x17: {  	s4 =	simm.s32 $0x1BF5;
	[smem:$0x3FBB] =	sst s0  }
0x18: {  	s0 =	sld [smem:$0x3F9E];
	_ =	swait.ge [sflag:s4], $0x0  }
0x19: {  	s7 =	sld [smem:$0x3F9F]  }
0x1a: {  	s8 =	sadd.s32 $0xFFFFE003, lr  }
0x1b: {  	s9 =	sadd.s32 $0xFFFFFEF7, lr;
	s5 =	simm.s32 $0xFFFFFFFF;
	p2 =	slt.u32 s8, $0xFFFFF086  }
0x1c: {  	p1 =	slt.u32 s9, $0xF7A;
	s5 =	simm.s32 @!p2 $0x0  }
0x1d: {  	s5 =	simm.s32 @p1 $0x1;
	p0 =	seq.s32 s7, s2  }
0x1e: {  	s7 =	smul.u32 @!p0 $0xF7A, s2;
	p2 =	seq.s32 @!p0 s5, $0x0  }
0x1f: {  	s9 =	smul.u32 $0xF7A, s1;
	s8 =	simm.s32 @!p0 $0x1BF5;
	p2 =	por !p2, p0  }
0x20: {  	[sflag:s8] =	ssyncset.s32 @!p0 $0xFFFFF086;
	s6 =	sadd.s32 @!p0 s3, s7;
	s7 =	simm.s32 @!p0 $0x108  }
0x21: {  	s3 =	sadd.s32 s3, s9;
	s6 =	sadd.s32 @!p0 $0x88, s6;
	s7 =	simm.s32 @p2 $0x1082  }
0x22: {  	[simem:s7], [sflag:s8] =	dma.local @!p0 [hbm:s6], $0xF7A  }
0x23: {  	s9 =	sor.u32 $0xD0000000, s2;
	s6 =	simm.s32 $0x108;
	_ =	swait.ge @!p0 [sflag:s8], $0x0  }
0x24: {  	s3 =	sadd.s32 $0x88, s3;
	s6 =	simm.s32 @!p1 $0x1082;
	[sflag:s4] =	ssyncset.s32 $0xFFFFF086  }
0x25: {  	[simem:s6], [sflag:s4] =	dma.local [hbm:s3], $0xF7A  }
0x26: {  	[smem:$0x3F9F] =	sst s1;
	(tag) =	ssettag s2;
	_ =	strace s9  }
0x27: {  	s1 =	sld [smem:$0x3FAF]  }
0x28: {  	s2 =	sld [smem:$0x3FB0]  }
0x29: {  	s4 =	sld [smem:$0x3FB2]  }
0x2a: {  	p0 =	seq.s32 s5, $0x0;
	s5 =	sld [smem:$0x3FB3]  }
0x2b: {  	s6 =	sld [smem:$0x3FB4]  }
0x2c: {  	s7 =	sld [smem:$0x3FB5]  }
0x2d: {  	s3 =	simm.s32 $0x108;
	s8 =	sld [smem:$0x3FB6]  }
0x2e: {  	s3 =	simm.s32 @!p0 $0x1082;
	s9 =	sld [smem:$0x3FB7]  }
0x2f: {  	lr =	sadd.s32 s0, s3;
	s0 =	sld [smem:$0x3FAE]  }
0x30: {  	s3 =	sld [smem:$0x3FB1]  }
0x31: {  	[smem:$0x3FBA] =	sst s10  }
0x32: {  	s10 =	sld [smem:$0x3FB8];
	_ =	sdelay $0x3  }
0x33: {  	p0 =	seq.s32 s10, $0x1;
	s10 =	sld [smem:$0x3FBA];
	_ =	sdelay $0x3  }
0x34: {  	[smem:$0x3FBA] =	sst s10  }
0x35: {  	s10 =	sld [smem:$0x3FB9];
	_ =	sdelay $0x3  }
0x36: {  	p1 =	seq.s32 s10, $0x1;
	s10 =	sld [smem:$0x3FBA];
	_ =	sdelay $0x3  }
0x37: {  	[smem:$0x3FBA] =	sst s10  }
0x38: {  	s10 =	sld [smem:$0x3FBB]  }
0x39: {  	_ = 	snop;
	(pc) =	sbr.ind lr, $3  }
0x3a: {  	_ = 	snop  }
0x3b: {  	_ = 	snop  }
0x3c: {  	p2 =	seq.s32 s10, $0x1;
	s10 =	sld [smem:$0x3FBA]  }
0x3d: {  	_ =	shalt  }
0x3e: {  	_ =	shalt  }
0x3f: {  	_ =	shalt  }
0x40: {  	_ =	shalt  }
0x41: {  	_ =	shalt  }
0x42: {  	_ =	shalt  }
0x43: {  	_ =	shalt  }
0x44: {  	_ =	shalt  }
0x45: {  	_ =	shalt  }
0x46: {  	_ =	shalt  }
0x47: {  	_ =	shalt  }
0x48: {  	_ =	shalt  }
0x49: {  	_ =	shalt  }
0x4a: {  	_ =	shalt  }
0x4b: {  	_ =	shalt  }
0x4c: {  	_ =	shalt  }
0x4d: {  	_ =	shalt  }
0x4e: {  	_ =	shalt  }
0x4f: {  	_ =	shalt  }
0x50: {  	_ =	shalt  }
0x51: {  	_ =	shalt  }
0x52: {  	_ =	shalt  }
0x53: {  	_ =	shalt  }
0x54: {  	_ =	shalt  }
0x55: {  	_ =	shalt  }
0x56: {  	_ =	shalt  }
0x57: {  	_ =	shalt  }
0x58: {  	_ =	shalt  }
0x59: {  	_ =	shalt  }
0x5a: {  	_ =	shalt  }
0x5b: {  	_ =	shalt  }
0x5c: {  	_ =	shalt  }
0x5d: {  	_ =	shalt  }
0x5e: {  	_ =	shalt  }
0x5f: {  	_ =	shalt  }
0x60: {  	_ =	shalt  }
0x61: {  	_ =	shalt  }
0x62: {  	_ =	shalt  }
0x63: {  	_ =	shalt  }
0x64: {  	_ =	shalt  }
0x65: {  	_ =	shalt  }
0x66: {  	_ =	shalt  }
0x67: {  	_ =	shalt  }
0x68: {  	_ =	shalt  }
0x69: {  	_ =	shalt  }
0x6a: {  	_ =	shalt  }
0x6b: {  	_ =	shalt  }
0x6c: {  	_ =	shalt  }
0x6d: {  	_ =	shalt  }
0x6e: {  	_ =	shalt  }
0x6f: {  	_ =	shalt  }
0x70: {  	_ =	shalt  }
0x71: {  	_ =	shalt  }
0x72: {  	_ =	shalt  }
0x73: {  	_ =	shalt  }
0x74: {  	_ =	shalt  }
0x75: {  	_ =	shalt  }
0x76: {  	_ =	shalt  }
0x77: {  	_ =	shalt  }
0x78: {  	_ =	shalt  }
0x79: {  	_ =	shalt  }
0x7a: {  	_ =	shalt  }
0x7b: {  	_ =	shalt  }
0x7c: {  	_ =	shalt  }
0x7d: {  	_ =	shalt  }
0x7e: {  	_ =	shalt  }
0x7f: {  	_ =	shalt  }
0x80: {  	_ =	shalt  }
0x81: {  	_ =	shalt  }
0x82: {  	_ =	shalt  }
0x83: {  	_ =	shalt  }
0x84: {  	_ =	shalt  }
0x85: {  	_ =	shalt  }
0x86: {  	_ =	shalt  }
0x87: {  	_ =	shalt  }
.Lfunc_end0:
.L_simem_size_0:
called_computation_lowered:
.L_overlay_start_0:
0x88: {  	s2 =	sld [smem:$0x3FD9]  }
0x89: {  	s3 =	sld [smem:$0x3FFE];
	_ =	sdelay $0x1  }
0x8a: {  	s1 =	srdreg.scid  }
0x8b: {  	s0 =	sand.u32 $0x1, s1  }
0x8c: {  	s17 =	sshll.u32 s0, $0xA;
	s2 =	sadd.s32 s3, s2  }
0x8d: {  	s2 =	sadd.s32 s2, s17  }
0x8e: {  	[smem:$0x3FC6] =	sst s2  }
0x8f: {  	_ = 	snop  }
0x90: {  	s2 =	sld [smem:$0x3FC8]  }
0x91: {  	s18 =	sld [smem:$0x3FD0];
	(tm) =	ssettm $0x1  }
0x92: {  	s4 =	sld [smem:$0x3FFB];
	_ =	sdelay $0x3  }
0x93: {  	_ =	strace s4  }
0x94: {  	s4 =	sld [smem:$0x3FFC];
	_ =	sdelay $0x3  }
0x95: {  	_ =	strace s4  }
0x96: {  	s4 =	sld [smem:$0x3FFD];
	_ =	sdelay $0x3  }
0x97: {  	_ =	strace s4  }
0x98: {  	_ =	strace $0x8FFFFFFF  }
0x99: {  	s19 =	sld [smem:$0x3FDB];
	_ =	sdelay $0x1  }
0x9a: {  	s5 =	simm.s32 $_scs_section_size  }
0x9b: {  	s6 =	simm.s32 $_size__tile_overlayer_lowered;
	s7 =	simm.s32 $_tile_overlayer_lowered  }
0x9c: {  	s22 =	simm.s32 $0x1BFF;
	s21 =	sshll.u32 s7, $0x1;
	s4 =	sadd.s32 s5, s19  }
0x9d: {  	s8 =	simm.s32 $0x0;
	s20 =	sshll.u32 s6, $0x1;
	s6 =	sadd.s32 s21, s4  }
0x9e: {  	[timem:s8], [sflag:s22] =	dma.local [hbm:s6], s20  }
0x9f: {  	_ =	swait.ge [sflag:s22], s20  }
0xa0: {  	s5 =	ssub.s32 $0x0, s20;
	[sflag:s22] =	ssyncset.done $0x0  }
0xa1: {  	[sflag:s22] =	ssyncadd.s32 s5;
	_ =	sdelay $0x1  }
0xa2: {  	s23 =	simm.s32 $0x1B8B  }
0xa3: {  	_ =	swait.ge [sflag:s23], $0x1  }
0xa4: {  	[sflag:s23] =	ssyncset.done $0x0  }
0xa5: {  	s25 =	simm.s32 $0x1B8E;
	s24 =	sld [smem:$0x3FFE];
	[sflag:s23] =	ssyncadd.s32 $0xFFFFFFFF  }
0xa6: {  	s26 =	simm.s32 $execute0_lowered;
	[smem:$0x3FD2] =	sst s25  }
0xa7: {  	s6 =	sshll.u32 s26, $0x1;
	_ =	strace $0x80000046;
	[dreg:$0x1] =	wrdreg $0xFFFFFFFF  }
0xa8: {  	s28 =	simm.s32 $_size_execute0_lowered;
	s4 =	sadd.s32 s4, s6;
	[dreg:$0x0] =	wrdreg $0x0  }
0xa9: {  	s6 =	sshll.u32 s28, $0x1;
	[dreg:$0x2] =	wrdreg s4  }
0xaa: {  	[dreg:$0x3] =	wrdreg s6  }
0xab: {  	[dreg:$0x4] =	wrdreg $0xC0  }
0xac: {  	_ =	task [dreg:s8], $0x5FFFF  }
0xad: {  	[dreg:$0x1] =	wrdreg $0xFFFFFFFF  }
0xae: {  	[dreg:$0x0] =	wrdreg $0x60  }
0xaf: {  	[dreg:$0x2] =	wrdreg s2  }
0xb0: {  	[dreg:$0x3] =	wrdreg s18  }
0xb1: {  	[dreg:$0x4] =	wrdreg s24  }
0xb2: {  	[dreg:$0x5] =	wrdreg $0x9  }
0xb3: {  	_ =	task.clear_ibuf [dreg:s8], $0x6FFFF;
	_ =	strace $0x90000046  }
0xb4: {  	s29 =	simm.s32 $0x9;
	_ =	strace $0x80000048  }
0xb5: {  	_ =	swait.ge [sflag:s29], $0x1  }
0xb6: {  	[sflag:s29] =	ssyncadd.s32 $0xFFFFFFFF  }
0xb7: {  	_ =	strace $0x90000048  }
0xb8: {  	_ =	sfence  }
0xb9: {  	s30 =	sld [smem:$0x0];
	_ =	sdelay $0x2  }
0xba: {  	s31 =	sshll.u32 s1, $0xD;
	s1 =	sshrl.u32 s1, $0x2  }
0xbb: {  	s3 =	sand.u32 $0x4000, s31;
	s1 =	sadd.s32 s1, s30  }
0xbc: {  	s0 =	sor.u32 s3, s0;
	s1 =	sshll.u32 s1, $0x11  }
0xbd: {  	s0 =	sor.u32 s1, s0  }
0xbe: {  	s0 =	sadd.s32 $0x8F2B, s0  }
0xbf: {  	[sflag:s0] =	ssyncadd.remote.s32 $0x1  }
0xc0: {  	_ =	sfence.sel $0xFFFF  }
0xc1: {  	[dreg:$0x0] =	wrdreg $0xFFFFFFFF;
	(pc) =	sbr.abs _section_cstart, $3  }
0xc2: {  	[dreg:$0x1] =	wrdreg $0xFFFFFFFF  }
0xc3: {  	_ =	task.clear_ibuf [dreg:s8], $0x2FFFF;
	_ =	strace $0x9FFFFFFF  }
0xc4: {  	(tm) =	ssettm $0x7FFFFFFF  }
0xc5: {  	_ =	shalt  }
tec
execute0_lowered:
.L_overlay_start_1:
0x0: {  	(tag) =	ssettag $0x1  }
0x1: {  	v0 =	vimm.s32 $0x3780  }
0x2: {  	vm0 =	vcmask $0x300;
	v1 =	vimm.s32 $0x3783;
	vm1 =	vcmask $0x704  }
0x3: {  	vm15 =	vcmask $0xB08;
	v0 =	vsel vm0, $0x0, v0;
	v1 =	vsel vm0, $0x3, v1  }
0x4: {  	s0 =	rddreg [dreg:$0x0];
	vm4 =	vcmask $0xF0C;
	v0 =	vsel vm1, $0x80, v0;
	v1 =	vsel vm1, $0x83, v1  }
0x5: {  	s1 =	rddreg [dreg:$0x1];
	vm5 =	vcmask $0x1310;
	v0 =	vsel vm15, $0x100, v0;
	v1 =	vsel vm15, $0x103, v1  }
0x6: {  	s3 =	srdreg.scid;
	s2 =	stileid.u32;
	vm6 =	vcmask $0x1714;
	v0 =	vsel vm4, $0x180, v0;
	v1 =	vsel vm4, $0x183, v1  }
0x7: {  	s11 =	rddreg [dreg:$0x2];
	s4 =	simm.s32 $0x0;
	vm7 =	vcmask $0x1B18;
	s13 =	simm.s32 $0x3400;
	v0 =	vsel vm5, $0x200, v0;
	v1 =	vsel vm5, $0x203, v1  }
0x8: {  	vm8 =	vcmask $0x1F1C;
	s14 =	simm.s32 $0x1;
	s15 =	simm.s32 $0xD000;
	s16 =	simm.s32 $0x2;
	v0 =	vsel vm6, $0x280, v0;
	v1 =	vsel vm6, $0x283, v1  }
0x9: {  	vm9 =	vcmask $0x2320;
	s17 =	simm.s32 $0x6800;
	s18 =	simm.s32 $0x13000;
	s19 =	simm.s32 $0x3;
	v0 =	vsel vm7, $0x300, v0;
	v1 =	vsel vm7, $0x303, v1  }
0xa: {  	vm10 =	vcmask $0x2724;
	s20 =	simm.s32 $0x4;
	s7 =	sand.u32 $0x1, s3;
	s5 =	sshll.u32 s2, $0x1;
	v0 =	vsel vm8, $0x380, v0;
	v1 =	vsel vm8, $0x383, v1  }
0xb: {  	vm11 =	vcmask $0x2B28;
	s21 =	simm.s32 $0x0;
	[smem:$0x7FF] =	sst s4;
	s5 =	sor.u32 s7, s5;
	v0 =	vsel vm9, $0x3400, v0;
	v1 =	vsel vm9, $0x3403, v1  }
0xc: {  	s6 =	sadd.s32 $0x800, s11;
	s11 =	sadd.s32 $0x1E8C00, s11;
	s8 =	smul.u32 $0x3000, s5;
	v0 =	vsel vm10, $0x3480, v0;
	v1 =	vsel vm10, $0x3483, v1  }
.Ltmp0:
0xd: {  	vm12 =	vcmask $0x2F2C;
	s3 =	rddreg [dreg:$0x3];
	_ =	strace $0x80000047;
	v0 =	vsel vm11, $0x3500, v0;
	v1 =	vsel vm11, $0x3503, v1;
	(pc) =	sbr.rel .LBB2_1-.Ltmp0, $4  }
0xe: {  	vm13 =	vcmask $0x3330;
	s9 =	ssub.s32 $0x2, s7;
	s7 =	simm.s32 $0x15;
	p0 =	slt.u32 s5, $0xB;
	v0 =	vsel vm12, $0x3580, v0;
	v1 =	vsel vm12, $0x3583, v1  }
0xf: {  	vm14 =	vcmask $0x3734;
	s10 =	sshrl.u32 s9, $0x1;
	s7 =	simm.s32 @!p0 $0x14;
	s8 =	sshrl.u32 s8, $0x3;
	v0 =	vsel vm13, $0x3600, v0;
	v1 =	vsel vm13, $0x3603, v1  }
0x10: {  	vm15 =	vcmask $0x3B38;
	s12 =	ssub.s32 s9, s10;
	p0 =	sne.s32 s5, $0x1F;
	s8 =	sadd.s32 s0, s8;
	v0 =	vsel vm14, $0x3680, v0;
	v1 =	vsel vm14, $0x3683, v1  }
0x11: {  	s10 =	sadd.s32 $0xFFFFFFFE, s7;
	s12 =	smax.u32 s12, $0x1;
	s9 =	sadd.s32 $0xF4280, s8;
	v0 =	vsel vm15, $0x3700, v0;
	v1 =	vsel vm15, $0x3703, v1  }
.LBB2_11:
0x12: {  	_ =	swait.ge [sflag:s19], $0x6000  }
0x13: {  	[sflag:s19] =	ssyncset.done $0x0  }
0x14: {  	[sflag:s19] =	ssyncadd.s32 $0xFFFFA000  }
0x15: {  	_ =	swait.ge [sflag:s20], $0x6000  }
0x16: {  	s22 =	simm.s32 @!p0 $0x0;
	[sflag:s20] =	ssyncset.done $0x0  }
0x17: {  	s23 =	simm.s32 @!p0 $0x19000;
	s24 =	simm.s32 @!p0 $0x5;
	[sflag:s20] =	ssyncadd.s32 $0xFFFFA000  }
0x18: {  	[tilespmem:s23], [sflag:$0x5] =	stream.linear.gather @!p0 [hbm4b:s1+s22], $0x400, $0x38;
	[tilespmem:$0x19400] =	vst v63  }
0x19: {  	s21 =	sadd.s32 $0x1, s21;
	_ =	swait.ge @!p0 [sflag:s24], $0x400  }
0x1a: {  	p1 =	sne.s32 s21, s12;
	[sflag:s24] =	ssyncset.done @!p0 $0x0  }
.Ltmp1:
0x1b: {  	[sflag:s24] =	ssyncadd.s32 @!p0 $0xFFFFFC00;
	(pc) =	sbr.rel @!p1 .LBB2_12-.Ltmp1, $4  }
0x1c: {  	[hbm4b:s11+s22] =	stream.linear.scatter @!p0 [tilespmem:s23], [sflag:$0x5], $0x400, $0x38;
	[tilespmem:$0x19400] =	vst v63  }
0x1d: {  	_ =	swait.ge @!p0 [sflag:s24], $0x400  }
0x1e: {  	[sflag:s24] =	ssyncset.done @!p0 $0x0  }
0x1f: {  	[sflag:s24] =	ssyncadd.s32 @!p0 $0xFFFFFC00  }
.LBB2_1:
.Ltmp2:
0x20: {  	(pc) =	sbr.rel .LBB2_2-.Ltmp2, $4  }
0x21: {  	_ = 	snop  }
0x22: {  	[tilespmem:s4], [sflag:$0x1] =	stream.linear.gather [hbm4b:s8+s4], $0x3000, $0x38;
	[tilespmem:$0x19400] =	vst v63  }
0x23: {  	s22 =	simm.s32 $0x0  }
0x24: {  	[tilespmem:s13], [sflag:$0x1] =	stream.linear.gather [hbm4b:s9+s4], $0x3000, $0x38;
	[tilespmem:$0x19400] =	vst v63  }
.LBB2_10:
0x25: {  	s22 =	sadd.s32 $0x1, s22  }
0x26: {  	p1 =	sne.s32 s22, $0xB  }
.Ltmp3:
0x27: {  	_ = 	snop;
	(pc) =	sbr.rel @!p1 .LBB2_11-.Ltmp3, $1  }
0x28: {  	_ =	sdelay $0x3  }
.LBB2_2:
0x29: {  	s24 =	sshllo.u32 s22, $0x1  }
0x2a: {  	s23 =	sshll.u32 s24, $0x5  }
0x2b: {  	p1 =	sge.u32 s24, s7;
	s23 =	sor.u32 s5, s23  }
0x2c: {  	s24 =	smul.u32 @!p1 $0x3000, s23;
	_ =	sdelay $0x1  }
0x2d: {  	s24 =	sshrl.u32 @!p1 s24, $0x3  }
0x2e: {  	s26 =	simm.s32 @!p1 $0x0;
	s25 =	sadd.s32 @!p1 s0, s24;
	s24 =	simm.s32 @!p1 $0x6800  }
0x2f: {  	[tilespmem:s24], [sflag:$0x2] =	stream.linear.gather @!p1 [hbm4b:s25+s26], $0x3000, $0x38;
	[tilespmem:$0x19400] =	vst v63  }
0x30: {  	s24 =	sshll.u32 s22, $0x1  }
0x31: {  	p2 =	sge.u32 s24, s7  }
.Ltmp4:
0x32: {  	_ = 	snop;
	(pc) =	sbr.rel @p2 .LBB2_6-.Ltmp4, $4  }
0x33: {  	_ = 	snop  }
0x34: {  	s31 =	sshll.u32 s22, $0x6;
	s28 =	simm.s32 @!p1 $0x9C00;
	s25 =	sadd.s32 @!p1 $0xF4280, s25  }
0x35: {  	[tilespmem:s28], [sflag:$0x2] =	stream.linear.gather @!p1 [hbm4b:s25+s26], $0x3000, $0x38;
	[tilespmem:$0x19400] =	vst v63  }
0x36: {  	s25 =	sor.u32 s5, s31  }
0x37: {  	_ =	swait.ge [sflag:s14], $0x3000;
	v7 =	vimm.s32 $0x0  }
0x38: {  	[sflag:s14] =	ssyncset.done $0x0;
	v2 =	vshll.u32 v7, $0x3  }
0x39: {  	v3 =	vand.u32 $0x70, v7;
	[sflag:s14] =	ssyncadd.s32 $0xFFFFD000;
	v2 =	vand.u32 $0xFFFFFC00, v2  }
0x3a: {  	_ =	swait.ge [sflag:s14], $0x3000;
	v3 =	vor.u32 v3, v2  }
0x3b: {  	p2 =	seq.s32 s22, $0x0;
	[sflag:s14] =	ssyncset.done $0x0;
	v4 =	vadd.s32 v0, v3  }
0x3c: {  	s26 =	simm.s32 @!p2 $0x3;
	[sflag:s14] =	ssyncadd.s32 $0xFFFFD000;
	v5 =	vor.u32 $0xF, v4  }
0x3d: {  	v6 =	vor.u32 $0x1, v4;
	_ =	swait.ge @!p2 [sflag:s26], $0x6000  }
0x3e: {  	v8 =	vor.u32 $0x2, v4;
	[sflag:s26] =	ssyncset.done @!p2 $0x0  }
0x3f: {  	v9 =	vor.u32 $0x4, v4;
	[sflag:s26] =	ssyncadd.s32 @!p2 $0xFFFFA000  }
0x40: {  	v10 =	vor.u32 $0x5, v4;
	v2 =	vld.idx.msk [tilespmem:v4+s4+$0x0], $0xffff  }
0x41: {  	v14 =	vor.u32 $0x6, v4;
	v18 =	vld.idx.msk [tilespmem:v5+s4+$0x0], $0xffff  }
0x42: {  	v15 =	vor.u32 $0x7, v4;
	v17 =	vld.idx.msk [tilespmem:v6+s4+$0x0], $0xffff  }
0x43: {  	v11 =	vor.u32 $0x8, v4;
	v16 =	vld.idx.msk [tilespmem:v8+s4+$0x0], $0xffff  }
0x44: {  	v12 =	vld.idx.msk [tilespmem:v9+s4+$0x0], $0xffff;
	v9 =	vor.u32 $0x9, v4  }
0x45: {  	v13 =	vld.idx.msk [tilespmem:v10+s4+$0x0], $0xffff;
	v10 =	vor.u32 $0xA, v4  }
0x46: {  	v7 =	vadd.s32 $0x10, v7;
	v3 =	vadd.s32 v1, v3;
	s26 =	simm.s32 $0xD080;
	v8 =	vor.u32 $0xB, v4;
	v14 =	vld.idx.msk [tilespmem:v14+s4+$0x0], $0xffff  }
0x47: {  	s28 =	simm.s32 $0x0;
	v5 =	vor.u32 $0xC, v4;
	v6 =	vor.u32 $0xD, v4;
	v4 =	vor.u32 $0xE, v4;
	v15 =	vld.idx.msk [tilespmem:v15+s4+$0x0], $0xffff;
	[tilespmem:s26+$0x70] =	vst v18  }
.LBB2_4:
0x48: {  	v18 =	vshll.u32 v7, $0x3;
	s28 =	sadd.s32 $0x10, s28;
	[tilespmem:s26+$0xFFFFFF90] =	vst v17;
	v17 =	vld.idx.msk [tilespmem:v11+s4+$0x0], $0xffff  }
0x49: {  	v11 =	vand.u32 $0x70, v7;
	v18 =	vand.u32 $0xFFFFFC00, v18;
	p2 =	slt.u32 s28, $0x5F0;
	[tilespmem:s26+$0xFFFFFFA0] =	vst v16;
	v16 =	vld.idx.msk [tilespmem:v9+s4+$0x0], $0xffff  }
0x4a: {  	v9 =	vor.u32 v11, v18;
	[tilespmem:s26+$0xFFFFFFC0] =	vst v12;
	v12 =	vld.idx.msk [tilespmem:v10+s4+$0x0], $0xffff  }
0x4b: {  	v18 =	vadd.s32 v0, v9;
	v19 =	vadd.s32 v1, v9;
	[tilespmem:s26+$0xFFFFFFD0] =	vst v13;
	v13 =	vld.idx.msk [tilespmem:v8+s4+$0x0], $0xffff  }
0x4c: {  	v20 =	vor.u32 $0x1, v18;
	v21 =	vor.u32 $0x2, v18;
	v22 =	vor.u32 $0xF, v18;
	[tilespmem:s26+$0xFFFFFFE0] =	vst v14;
	v14 =	vld.idx.msk [tilespmem:v5+s4+$0x0], $0xffff  }
0x4d: {  	v23 =	vor.u32 $0x4, v18;
	v24 =	vor.u32 $0x5, v18;
	v25 =	vor.u32 $0x6, v18;
	[tilespmem:s26+$0xFFFFFFF0] =	vst v15;
	v15 =	vld.idx.msk [tilespmem:v6+s4+$0x0], $0xffff  }
0x4e: {  	v26 =	vor.u32 $0x7, v18;
	v11 =	vor.u32 $0x8, v18;
	v9 =	vor.u32 $0x9, v18;
	[tilespmem:s26+$0x0] =	vst v17;
	v27 =	vld.idx.msk [tilespmem:v4+s4+$0x0], $0xffff  }
0x4f: {  	v10 =	vor.u32 $0xA, v18;
	v8 =	vor.u32 $0xB, v18;
	v5 =	vor.u32 $0xC, v18;
	v28 =	vld.idx.msk [tilespmem:v3+s4+$0x0], $0xffff;
	[tilespmem:s26+$0x10] =	vst v16;
	v3 =	vmovc v19  }
0x50: {  	v6 =	vor.u32 $0xD, v18;
	v4 =	vor.u32 $0xE, v18;
	v19 =	vld.idx.msk [tilespmem:v18+s4+$0x0], $0xffff;
	[tilespmem:s26+$0x20] =	vst v12  }
0x51: {  	v18 =	vld.idx.msk [tilespmem:v22+s4+$0x0], $0xffff;
	[tilespmem:s26+$0x30] =	vst v13  }
0x52: {  	v17 =	vld.idx.msk [tilespmem:v20+s4+$0x0], $0xffff;
	[tilespmem:s26+$0x40] =	vst v14  }
.Ltmp5:
0x53: {  	v16 =	vld.idx.msk [tilespmem:v21+s4+$0x0], $0xffff;
	[tilespmem:s26+$0x50] =	vst v15;
	(pc) =	sbr.rel @p2 .LBB2_4-.Ltmp5, $4  }
0x54: {  	v12 =	vld.idx.msk [tilespmem:v23+s4+$0x0], $0xffff;
	[tilespmem:s26+$0x60] =	vst v27  }
0x55: {  	v13 =	vld.idx.msk [tilespmem:v24+s4+$0x0], $0xffff;
	[tilespmem:s26+$0xFFFFFF80] =	vst v2  }
0x56: {  	v2 =	vmov v19;
	v14 =	vld.idx.msk [tilespmem:v25+s4+$0x0], $0xffff;
	[tilespmem:s26+$0xFFFFFFB0] =	vst v28;
	s26 =	sadd.s32 $0x100, s26  }
0x57: {  	v7 =	vadd.s32 $0x10, v7;
	v15 =	vld.idx.msk [tilespmem:v26+s4+$0x0], $0xffff;
	[tilespmem:s26+$0x70] =	vst v18  }
0x58: {  	_ =	sdelay $0x1  }
0x59: {  	[tilespmem:s26+$0xFFFFFF90] =	vst v17  }
0x5a: {  	[tilespmem:s26+$0xFFFFFFA0] =	vst v16  }
0x5b: {  	v7 =	vld.idx.msk [tilespmem:v11+s4+$0x0], $0xffff;
	[tilespmem:s26+$0xFFFFFF80] =	vst v2  }
0x5c: {  	v9 =	vld.idx.msk [tilespmem:v9+s4+$0x0], $0xffff;
	[tilespmem:s26+$0xFFFFFFC0] =	vst v12  }
0x5d: {  	v10 =	vld.idx.msk [tilespmem:v10+s4+$0x0], $0xffff;
	[tilespmem:s26+$0xFFFFFFD0] =	vst v13  }
0x5e: {  	v8 =	vld.idx.msk [tilespmem:v8+s4+$0x0], $0xffff;
	[tilespmem:s26+$0xFFFFFFE0] =	vst v14  }
0x5f: {  	v5 =	vld.idx.msk [tilespmem:v5+s4+$0x0], $0xffff;
	[tilespmem:s26+$0xFFFFFFF0] =	vst v15  }
0x60: {  	v6 =	vld.idx.msk [tilespmem:v6+s4+$0x0], $0xffff;
	[tilespmem:s26+$0x0] =	vst v7  }
0x61: {  	v4 =	vld.idx.msk [tilespmem:v4+s4+$0x0], $0xffff;
	[tilespmem:s26+$0x10] =	vst v9  }
0x62: {  	v3 =	vld.idx.msk [tilespmem:v3+s4+$0x0], $0xffff;
	[tilespmem:s26+$0x20] =	vst v10  }
0x63: {  	[tilespmem:s26+$0x30] =	vst v8  }
0x64: {  	[tilespmem:s26+$0x40] =	vst v5  }
0x65: {  	s28 =	smul.u32 $0xC00, s25;
	[tilespmem:s26+$0x50] =	vst v6  }
0x66: {  	[tilespmem:s26+$0x60] =	vst v4  }
0x67: {  	s31 =	sadd.s32 s6, s28;
	[tilespmem:s26+$0xFFFFFFB0] =	vst v3  }
0x68: {  	[hbm4b:s31+s4] =	stream.linear.scatter [tilespmem:s15], [sflag:$0x3], $0x6000, $0x38;
	[tilespmem:$0x19400] =	vst v63  }
.LBB2_6:
0x69: {  	p2 =	sge.u32 s24, s10  }
0x6a: {  	s24 =	smul.u32 @!p2 $0x3000, s25;
	_ =	sdelay $0x1  }
0x6b: {  	s24 =	sshrl.u32 @!p2 s24, $0x3  }
.Ltmp6:
0x6c: {  	s24 =	sadd.s32 @!p2 s0, s24;
	(pc) =	sbr.rel @p1 .LBB2_10-.Ltmp6, $4  }
0x6d: {  	s26 =	simm.s32 @!p2 $0x0;
	s25 =	sadd.s32 @!p2 $0x18000, s24  }
0x6e: {  	[tilespmem:s26], [sflag:$0x1] =	stream.linear.gather @!p2 [hbm4b:s25+s26], $0x3000, $0x38;
	[tilespmem:$0x19400] =	vst v63  }
0x6f: {  	s24 =	sadd.s32 @!p2 $0x10C280, s24;
	s25 =	simm.s32 @!p2 $0x3400  }
0x70: {  	[tilespmem:s25], [sflag:$0x1] =	stream.linear.gather @!p2 [hbm4b:s24+s26], $0x3000, $0x38;
	[tilespmem:$0x19400] =	vst v63  }
0x71: {  	_ =	swait.ge [sflag:s16], $0x3000;
	v7 =	vimm.s32 $0x0  }
0x72: {  	[sflag:s16] =	ssyncset.done $0x0;
	v2 =	vshll.u32 v7, $0x3  }
0x73: {  	v3 =	vand.u32 $0x70, v7;
	[sflag:s16] =	ssyncadd.s32 $0xFFFFD000;
	v2 =	vand.u32 $0xFFFFFC00, v2  }
0x74: {  	_ =	swait.ge [sflag:s16], $0x3000;
	v3 =	vor.u32 v3, v2  }
0x75: {  	p1 =	seq.s32 s22, $0x0;
	[sflag:s16] =	ssyncset.done $0x0;
	v4 =	vadd.s32 v0, v3  }
0x76: {  	s24 =	simm.s32 @!p1 $0x4;
	[sflag:s16] =	ssyncadd.s32 $0xFFFFD000;
	v5 =	vor.u32 $0xF, v4  }
0x77: {  	v6 =	vor.u32 $0x1, v4;
	_ =	swait.ge @!p1 [sflag:s24], $0x6000  }
0x78: {  	v8 =	vor.u32 $0x2, v4;
	[sflag:s24] =	ssyncset.done @!p1 $0x0  }
0x79: {  	v9 =	vor.u32 $0x4, v4;
	[sflag:s24] =	ssyncadd.s32 @!p1 $0xFFFFA000  }
0x7a: {  	v10 =	vor.u32 $0x5, v4;
	v2 =	vld.idx.msk [tilespmem:v4+s17+$0x0], $0xffff  }
0x7b: {  	v14 =	vor.u32 $0x6, v4;
	v18 =	vld.idx.msk [tilespmem:v5+s17+$0x0], $0xffff  }
0x7c: {  	v15 =	vor.u32 $0x7, v4;
	v17 =	vld.idx.msk [tilespmem:v6+s17+$0x0], $0xffff  }
0x7d: {  	v11 =	vor.u32 $0x8, v4;
	v16 =	vld.idx.msk [tilespmem:v8+s17+$0x0], $0xffff  }
0x7e: {  	v12 =	vld.idx.msk [tilespmem:v9+s17+$0x0], $0xffff;
	v9 =	vor.u32 $0x9, v4  }
0x7f: {  	v13 =	vld.idx.msk [tilespmem:v10+s17+$0x0], $0xffff;
	v10 =	vor.u32 $0xA, v4  }
0x80: {  	v7 =	vadd.s32 $0x10, v7;
	v3 =	vadd.s32 v1, v3;
	s24 =	simm.s32 $0x13080;
	v8 =	vor.u32 $0xB, v4;
	v14 =	vld.idx.msk [tilespmem:v14+s17+$0x0], $0xffff  }
0x81: {  	s25 =	simm.s32 $0x0;
	v5 =	vor.u32 $0xC, v4;
	v6 =	vor.u32 $0xD, v4;
	v4 =	vor.u32 $0xE, v4;
	v15 =	vld.idx.msk [tilespmem:v15+s17+$0x0], $0xffff;
	[tilespmem:s24+$0x70] =	vst v18  }
.LBB2_8:
0x82: {  	v18 =	vshll.u32 v7, $0x3;
	s25 =	sadd.s32 $0x10, s25;
	[tilespmem:s24+$0xFFFFFF90] =	vst v17;
	v17 =	vld.idx.msk [tilespmem:v11+s17+$0x0], $0xffff  }
0x83: {  	v11 =	vand.u32 $0x70, v7;
	v18 =	vand.u32 $0xFFFFFC00, v18;
	p1 =	slt.u32 s25, $0x5F0;
	[tilespmem:s24+$0xFFFFFFA0] =	vst v16;
	v16 =	vld.idx.msk [tilespmem:v9+s17+$0x0], $0xffff  }
0x84: {  	v9 =	vor.u32 v11, v18;
	[tilespmem:s24+$0xFFFFFFC0] =	vst v12;
	v12 =	vld.idx.msk [tilespmem:v10+s17+$0x0], $0xffff  }
0x85: {  	v18 =	vadd.s32 v0, v9;
	v19 =	vadd.s32 v1, v9;
	[tilespmem:s24+$0xFFFFFFD0] =	vst v13;
	v13 =	vld.idx.msk [tilespmem:v8+s17+$0x0], $0xffff  }
0x86: {  	v20 =	vor.u32 $0x1, v18;
	v21 =	vor.u32 $0x2, v18;
	v22 =	vor.u32 $0xF, v18;
	[tilespmem:s24+$0xFFFFFFE0] =	vst v14;
	v14 =	vld.idx.msk [tilespmem:v5+s17+$0x0], $0xffff  }
0x87: {  	v23 =	vor.u32 $0x4, v18;
	v24 =	vor.u32 $0x5, v18;
	v25 =	vor.u32 $0x6, v18;
	[tilespmem:s24+$0xFFFFFFF0] =	vst v15;
	v15 =	vld.idx.msk [tilespmem:v6+s17+$0x0], $0xffff  }
0x88: {  	v26 =	vor.u32 $0x7, v18;
	v11 =	vor.u32 $0x8, v18;
	v9 =	vor.u32 $0x9, v18;
	[tilespmem:s24+$0x0] =	vst v17;
	v27 =	vld.idx.msk [tilespmem:v4+s17+$0x0], $0xffff  }
0x89: {  	v10 =	vor.u32 $0xA, v18;
	v8 =	vor.u32 $0xB, v18;
	v5 =	vor.u32 $0xC, v18;
	v28 =	vld.idx.msk [tilespmem:v3+s17+$0x0], $0xffff;
	[tilespmem:s24+$0x10] =	vst v16;
	v3 =	vmovc v19  }
0x8a: {  	v6 =	vor.u32 $0xD, v18;
	v4 =	vor.u32 $0xE, v18;
	v19 =	vld.idx.msk [tilespmem:v18+s17+$0x0], $0xffff;
	[tilespmem:s24+$0x20] =	vst v12  }
0x8b: {  	v18 =	vld.idx.msk [tilespmem:v22+s17+$0x0], $0xffff;
	[tilespmem:s24+$0x30] =	vst v13  }
0x8c: {  	v17 =	vld.idx.msk [tilespmem:v20+s17+$0x0], $0xffff;
	[tilespmem:s24+$0x40] =	vst v14  }
.Ltmp7:
0x8d: {  	v16 =	vld.idx.msk [tilespmem:v21+s17+$0x0], $0xffff;
	[tilespmem:s24+$0x50] =	vst v15;
	(pc) =	sbr.rel @p1 .LBB2_8-.Ltmp7, $4  }
0x8e: {  	v12 =	vld.idx.msk [tilespmem:v23+s17+$0x0], $0xffff;
	[tilespmem:s24+$0x60] =	vst v27  }
0x8f: {  	v13 =	vld.idx.msk [tilespmem:v24+s17+$0x0], $0xffff;
	[tilespmem:s24+$0xFFFFFF80] =	vst v2  }
0x90: {  	v2 =	vmov v19;
	v14 =	vld.idx.msk [tilespmem:v25+s17+$0x0], $0xffff;
	[tilespmem:s24+$0xFFFFFFB0] =	vst v28;
	s24 =	sadd.s32 $0x100, s24  }
0x91: {  	v7 =	vadd.s32 $0x10, v7;
	v15 =	vld.idx.msk [tilespmem:v26+s17+$0x0], $0xffff;
	[tilespmem:s24+$0x70] =	vst v18  }
0x92: {  	_ =	sdelay $0x1  }
0x93: {  	[tilespmem:s24+$0xFFFFFF90] =	vst v17  }
0x94: {  	[tilespmem:s24+$0xFFFFFFA0] =	vst v16  }
0x95: {  	v7 =	vld.idx.msk [tilespmem:v11+s17+$0x0], $0xffff;
	[tilespmem:s24+$0xFFFFFF80] =	vst v2  }
0x96: {  	v9 =	vld.idx.msk [tilespmem:v9+s17+$0x0], $0xffff;
	[tilespmem:s24+$0xFFFFFFC0] =	vst v12  }
0x97: {  	v10 =	vld.idx.msk [tilespmem:v10+s17+$0x0], $0xffff;
	[tilespmem:s24+$0xFFFFFFD0] =	vst v13  }
0x98: {  	v8 =	vld.idx.msk [tilespmem:v8+s17+$0x0], $0xffff;
	[tilespmem:s24+$0xFFFFFFE0] =	vst v14  }
0x99: {  	v5 =	vld.idx.msk [tilespmem:v5+s17+$0x0], $0xffff;
	[tilespmem:s24+$0xFFFFFFF0] =	vst v15  }
0x9a: {  	v6 =	vld.idx.msk [tilespmem:v6+s17+$0x0], $0xffff;
	[tilespmem:s24+$0x0] =	vst v7  }
0x9b: {  	v4 =	vld.idx.msk [tilespmem:v4+s17+$0x0], $0xffff;
	[tilespmem:s24+$0x10] =	vst v9  }
0x9c: {  	v3 =	vld.idx.msk [tilespmem:v3+s17+$0x0], $0xffff;
	[tilespmem:s24+$0x20] =	vst v10  }
0x9d: {  	[tilespmem:s24+$0x30] =	vst v8  }
.Ltmp8:
0x9e: {  	[tilespmem:s24+$0x40] =	vst v5;
	(pc) =	sbr.rel .LBB2_10-.Ltmp8, $4  }
0x9f: {  	s23 =	smul.u32 $0xC00, s23;
	[tilespmem:s24+$0x50] =	vst v6  }
0xa0: {  	[tilespmem:s24+$0x60] =	vst v4  }
0xa1: {  	s23 =	sadd.s32 s6, s23;
	[tilespmem:s24+$0xFFFFFFB0] =	vst v3  }
0xa2: {  	[hbm4b:s23+s4] =	stream.linear.scatter [tilespmem:s18], [sflag:$0x4], $0x6000, $0x38;
	[tilespmem:$0x19400] =	vst v63  }
.LBB2_12:
0xa3: {  	_ =	sfence.sel $0x180000  }
0xa4: {  	[bflag:$0x0] =	sbarrier.arrive $0xFFFF  }
0xa5: {  	p0 =	sne.s32 s2, $0x0;
	_ =	strace $0x90000047  }
0xa6: {  	s0 =	sadd.s32 @!p0 $0x100000, s3;
	[bflag:$0x2] =	sbarrier.arrive $0xFFFF  }
0xa7: {  	[sflag:s0] =	ssyncadd.tile.s32 @!p0 $0x1;
	_ =	shalt  }
.Lfunc_end2:
_tile_overlayer_lowered:
.L_overlay_start_2:
0xa8: {  	(tag) =	ssettag $0x2  }
0xa9: {  	s0 =	rddreg [dreg:$0x0];
	s2 =	stileid.u32  }
0xaa: {  	s1 =	rddreg [dreg:$0x1];
	p0 =	sne.s32 s2, $0x0  }
0xab: {  	s3 =	rddreg [dreg:$0x2];
	[bflag:$0x3] =	sbarrier.arrive $0xFFFF;
	s2 =	simm.s32 @!p0 $0x1C05  }
0xac: {  	[timem:s3], [sflag:s2] =	dma.local @!p0 [hbm:s0], s1  }
0xad: {  	s0 =	simm.s32 @!p0 $0x5  }
0xae: {  	_ =	swait.ge @!p0 [sflag:s0], s1  }
0xaf: {  	s1 =	ssub.s32 @!p0 $0x0, s1;
	[sflag:s0] =	ssyncset.done @!p0 $0x0  }
0xb0: {  	[sflag:s0] =	ssyncadd.s32 @!p0 s1  }
0xb1: {  	[bflag:$0x3] =	sbarrier.arrive $0xFFFF  }
0xb2: {  	_ =	shalt  }

// kernel: kernel.7.cloned.1.call-start
scs
__scs_entry_jumppad:
0x0: {  	(pc) =	sbr.rel $0x88, $3  }
0x1: {  	(tag) =	ssettag $0x0;
	lr =	simm.s32 $0x1  }
0x2: {  	[smem:$0x3F9F] =	sst lr;
	_ =	strace $0xD0000000  }
0x3: {  	_ = 	snop  }
0x4: {  	_ = 	snop  }
0x5: {  	_ = 	snop  }
0x6: {  	_ = 	snop  }
0x7: {  	_ = 	snop  }
__scs_overlays_trampoline_lowered:
0x8: {  	[smem:$0x3FAE] =	sst s0  }
0x9: {  	[smem:$0x3FAF] =	sst s1  }
0xa: {  	[smem:$0x3FB0] =	sst s2  }
0xb: {  	[smem:$0x3FB1] =	sst s3  }
0xc: {  	[smem:$0x3FB2] =	sst s4  }
0xd: {  	[smem:$0x3FB3] =	sst s5  }
0xe: {  	[smem:$0x3FB4] =	sst s6  }
0xf: {  	[smem:$0x3FB5] =	sst s7  }
0x10: {  	[smem:$0x3FB6] =	sst s8  }
0x11: {  	[smem:$0x3FB7] =	sst s9;
	s0 =	simm.s32 @!p0 $0x0  }
0x12: {  	s1 =	sld [smem:$0x3F9D];
	s0 =	simm.s32 @p0 $0x1  }
0x13: {  	[smem:$0x3FB8] =	sst s0;
	s0 =	simm.s32 @!p1 $0x0  }
0x14: {  	s2 =	sld [smem:$0x3F9C];
	s0 =	simm.s32 @p1 $0x1  }
0x15: {  	[smem:$0x3FB9] =	sst s0;
	s0 =	simm.s32 @!p2 $0x0  }
0x16: {  	s3 =	sld [smem:$0x3FDB];
	s0 =	simm.s32 @p2 $0x1  }
0x17: {  	s4 =	simm.s32 $0x1BF5;
	[smem:$0x3FBB] =	sst s0  }
0x18: {  	s0 =	sld [smem:$0x3F9E];
	_ =	swait.ge [sflag:s4], $0x0  }
0x19: {  	s7 =	sld [smem:$0x3F9F]  }
0x1a: {  	s8 =	sadd.s32 $0xFFFFE003, lr  }
0x1b: {  	s9 =	sadd.s32 $0xFFFFFEF7, lr;
	s5 =	simm.s32 $0xFFFFFFFF;
	p2 =	slt.u32 s8, $0xFFFFF086  }
0x1c: {  	p1 =	slt.u32 s9, $0xF7A;
	s5 =	simm.s32 @!p2 $0x0  }
0x1d: {  	s5 =	simm.s32 @p1 $0x1;
	p0 =	seq.s32 s7, s2  }
0x1e: {  	s7 =	smul.u32 @!p0 $0xF7A, s2;
	p2 =	seq.s32 @!p0 s5, $0x0  }
0x1f: {  	s9 =	smul.u32 $0xF7A, s1;
	s8 =	simm.s32 @!p0 $0x1BF5;
	p2 =	por !p2, p0  }
0x20: {  	[sflag:s8] =	ssyncset.s32 @!p0 $0xFFFFF086;
	s6 =	sadd.s32 @!p0 s3, s7;
	s7 =	simm.s32 @!p0 $0x108  }
0x21: {  	s3 =	sadd.s32 s3, s9;
	s6 =	sadd.s32 @!p0 $0x88, s6;
	s7 =	simm.s32 @p2 $0x1082  }
0x22: {  	[simem:s7], [sflag:s8] =	dma.local @!p0 [hbm:s6], $0xF7A  }
0x23: {  	s9 =	sor.u32 $0xD0000000, s2;
	s6 =	simm.s32 $0x108;
	_ =	swait.ge @!p0 [sflag:s8], $0x0  }
0x24: {  	s3 =	sadd.s32 $0x88, s3;
	s6 =	simm.s32 @!p1 $0x1082;
	[sflag:s4] =	ssyncset.s32 $0xFFFFF086  }
0x25: {  	[simem:s6], [sflag:s4] =	dma.local [hbm:s3], $0xF7A  }
0x26: {  	[smem:$0x3F9F] =	sst s1;
	(tag) =	ssettag s2;
	_ =	strace s9  }
0x27: {  	s1 =	sld [smem:$0x3FAF]  }
0x28: {  	s2 =	sld [smem:$0x3FB0]  }
0x29: {  	s4 =	sld [smem:$0x3FB2]  }
0x2a: {  	p0 =	seq.s32 s5, $0x0;
	s5 =	sld [smem:$0x3FB3]  }
0x2b: {  	s6 =	sld [smem:$0x3FB4]  }
0x2c: {  	s7 =	sld [smem:$0x3FB5]  }
0x2d: {  	s3 =	simm.s32 $0x108;
	s8 =	sld [smem:$0x3FB6]  }
0x2e: {  	s3 =	simm.s32 @!p0 $0x1082;
	s9 =	sld [smem:$0x3FB7]  }
0x2f: {  	lr =	sadd.s32 s0, s3;
	s0 =	sld [smem:$0x3FAE]  }
0x30: {  	s3 =	sld [smem:$0x3FB1]  }
0x31: {  	[smem:$0x3FBA] =	sst s10  }
0x32: {  	s10 =	sld [smem:$0x3FB8];
	_ =	sdelay $0x3  }
0x33: {  	p0 =	seq.s32 s10, $0x1;
	s10 =	sld [smem:$0x3FBA];
	_ =	sdelay $0x3  }
0x34: {  	[smem:$0x3FBA] =	sst s10  }
0x35: {  	s10 =	sld [smem:$0x3FB9];
	_ =	sdelay $0x3  }
0x36: {  	p1 =	seq.s32 s10, $0x1;
	s10 =	sld [smem:$0x3FBA];
	_ =	sdelay $0x3  }
0x37: {  	[smem:$0x3FBA] =	sst s10  }
0x38: {  	s10 =	sld [smem:$0x3FBB]  }
0x39: {  	_ = 	snop;
	(pc) =	sbr.ind lr, $3  }
0x3a: {  	_ = 	snop  }
0x3b: {  	_ = 	snop  }
0x3c: {  	p2 =	seq.s32 s10, $0x1;
	s10 =	sld [smem:$0x3FBA]  }
0x3d: {  	_ =	shalt  }
0x3e: {  	_ =	shalt  }
0x3f: {  	_ =	shalt  }
0x40: {  	_ =	shalt  }
0x41: {  	_ =	shalt  }
0x42: {  	_ =	shalt  }
0x43: {  	_ =	shalt  }
0x44: {  	_ =	shalt  }
0x45: {  	_ =	shalt  }
0x46: {  	_ =	shalt  }
0x47: {  	_ =	shalt  }
0x48: {  	_ =	shalt  }
0x49: {  	_ =	shalt  }
0x4a: {  	_ =	shalt  }
0x4b: {  	_ =	shalt  }
0x4c: {  	_ =	shalt  }
0x4d: {  	_ =	shalt  }
0x4e: {  	_ =	shalt  }
0x4f: {  	_ =	shalt  }
0x50: {  	_ =	shalt  }
0x51: {  	_ =	shalt  }
0x52: {  	_ =	shalt  }
0x53: {  	_ =	shalt  }
0x54: {  	_ =	shalt  }
0x55: {  	_ =	shalt  }
0x56: {  	_ =	shalt  }
0x57: {  	_ =	shalt  }
0x58: {  	_ =	shalt  }
0x59: {  	_ =	shalt  }
0x5a: {  	_ =	shalt  }
0x5b: {  	_ =	shalt  }
0x5c: {  	_ =	shalt  }
0x5d: {  	_ =	shalt  }
0x5e: {  	_ =	shalt  }
0x5f: {  	_ =	shalt  }
0x60: {  	_ =	shalt  }
0x61: {  	_ =	shalt  }
0x62: {  	_ =	shalt  }
0x63: {  	_ =	shalt  }
0x64: {  	_ =	shalt  }
0x65: {  	_ =	shalt  }
0x66: {  	_ =	shalt  }
0x67: {  	_ =	shalt  }
0x68: {  	_ =	shalt  }
0x69: {  	_ =	shalt  }
0x6a: {  	_ =	shalt  }
0x6b: {  	_ =	shalt  }
0x6c: {  	_ =	shalt  }
0x6d: {  	_ =	shalt  }
0x6e: {  	_ =	shalt  }
0x6f: {  	_ =	shalt  }
0x70: {  	_ =	shalt  }
0x71: {  	_ =	shalt  }
0x72: {  	_ =	shalt  }
0x73: {  	_ =	shalt  }
0x74: {  	_ =	shalt  }
0x75: {  	_ =	shalt  }
0x76: {  	_ =	shalt  }
0x77: {  	_ =	shalt  }
0x78: {  	_ =	shalt  }
0x79: {  	_ =	shalt  }
0x7a: {  	_ =	shalt  }
0x7b: {  	_ =	shalt  }
0x7c: {  	_ =	shalt  }
0x7d: {  	_ =	shalt  }
0x7e: {  	_ =	shalt  }
0x7f: {  	_ =	shalt  }
0x80: {  	_ =	shalt  }
0x81: {  	_ =	shalt  }
0x82: {  	_ =	shalt  }
0x83: {  	_ =	shalt  }
0x84: {  	_ =	shalt  }
0x85: {  	_ =	shalt  }
0x86: {  	_ =	shalt  }
0x87: {  	_ =	shalt  }
.Lfunc_end0:
.L_simem_size_0:
called_computation.1_lowered:
.L_overlay_start_0:
0x88: {  	s2 =	sld [smem:$0x3FD9]  }
0x89: {  	s3 =	sld [smem:$0x3FFE];
	_ =	sdelay $0x1  }
0x8a: {  	s1 =	srdreg.scid  }
0x8b: {  	s0 =	sand.u32 $0x1, s1  }
0x8c: {  	s17 =	sshll.u32 s0, $0xA;
	s2 =	sadd.s32 s3, s2  }
0x8d: {  	s2 =	sadd.s32 s2, s17  }
0x8e: {  	[smem:$0x3FC6] =	sst s2  }
0x8f: {  	_ = 	snop  }
0x90: {  	s2 =	sld [smem:$0x3FC9]  }
0x91: {  	s18 =	sld [smem:$0x3FD0];
	(tm) =	ssettm $0x1  }
0x92: {  	s4 =	sld [smem:$0x3FFB];
	_ =	sdelay $0x3  }
0x93: {  	_ =	strace s4  }
0x94: {  	s4 =	sld [smem:$0x3FFC];
	_ =	sdelay $0x3  }
0x95: {  	_ =	strace s4  }
0x96: {  	s4 =	sld [smem:$0x3FFD];
	_ =	sdelay $0x3  }
0x97: {  	_ =	strace s4  }
0x98: {  	_ =	strace $0x8FFFFFFF  }
0x99: {  	s19 =	sld [smem:$0x3FDB];
	_ =	sdelay $0x1  }
0x9a: {  	s5 =	simm.s32 $_scs_section_size  }
0x9b: {  	s6 =	simm.s32 $_size__tile_overlayer_lowered;
	s7 =	simm.s32 $_tile_overlayer_lowered  }
0x9c: {  	s22 =	simm.s32 $0x1BFF;
	s21 =	sshll.u32 s7, $0x1;
	s4 =	sadd.s32 s5, s19  }
0x9d: {  	s8 =	simm.s32 $0x0;
	s20 =	sshll.u32 s6, $0x1;
	s6 =	sadd.s32 s21, s4  }
0x9e: {  	[timem:s8], [sflag:s22] =	dma.local [hbm:s6], s20  }
0x9f: {  	_ =	swait.ge [sflag:s22], s20  }
0xa0: {  	s5 =	ssub.s32 $0x0, s20;
	[sflag:s22] =	ssyncset.done $0x0  }
0xa1: {  	[sflag:s22] =	ssyncadd.s32 s5;
	_ =	sdelay $0x1  }
0xa2: {  	s23 =	simm.s32 $0x1B8B  }
0xa3: {  	_ =	swait.ge [sflag:s23], $0x1  }
0xa4: {  	[sflag:s23] =	ssyncset.done $0x0  }
0xa5: {  	s25 =	simm.s32 $0x1B8E;
	s24 =	sld [smem:$0x3FFE];
	[sflag:s23] =	ssyncadd.s32 $0xFFFFFFFF  }
0xa6: {  	s26 =	simm.s32 $execute0_lowered;
	[smem:$0x3FD2] =	sst s25  }
0xa7: {  	s6 =	sshll.u32 s26, $0x1;
	_ =	strace $0x80000049;
	[dreg:$0x1] =	wrdreg $0xFFFFFFFF  }
0xa8: {  	s28 =	simm.s32 $_size_execute0_lowered;
	s4 =	sadd.s32 s4, s6;
	[dreg:$0x0] =	wrdreg $0x0  }
0xa9: {  	s6 =	sshll.u32 s28, $0x1;
	[dreg:$0x2] =	wrdreg s4  }
0xaa: {  	[dreg:$0x3] =	wrdreg s6  }
0xab: {  	[dreg:$0x4] =	wrdreg $0xC0  }
0xac: {  	_ =	task [dreg:s8], $0x5FFFF  }
0xad: {  	[dreg:$0x1] =	wrdreg $0xFFFFFFFF  }
0xae: {  	[dreg:$0x0] =	wrdreg $0x60  }
0xaf: {  	[dreg:$0x2] =	wrdreg s2  }
0xb0: {  	[dreg:$0x3] =	wrdreg s24  }
0xb1: {  	[dreg:$0x4] =	wrdreg s18  }
0xb2: {  	[dreg:$0x5] =	wrdreg $0x9  }
0xb3: {  	_ =	task.clear_ibuf [dreg:s8], $0x6FFFF;
	_ =	strace $0x90000049  }
0xb4: {  	s29 =	simm.s32 $0x9;
	_ =	strace $0x8000004B  }
0xb5: {  	_ =	swait.ge [sflag:s29], $0x1  }
0xb6: {  	[sflag:s29] =	ssyncadd.s32 $0xFFFFFFFF  }
0xb7: {  	_ =	strace $0x9000004B  }
0xb8: {  	_ =	sfence  }
0xb9: {  	s30 =	sld [smem:$0x0];
	_ =	sdelay $0x2  }
0xba: {  	s31 =	sshll.u32 s1, $0xD;
	s1 =	sshrl.u32 s1, $0x2  }
0xbb: {  	s3 =	sand.u32 $0x4000, s31;
	s1 =	sadd.s32 s1, s30  }
0xbc: {  	s0 =	sor.u32 s3, s0;
	s1 =	sshll.u32 s1, $0x11  }
0xbd: {  	s0 =	sor.u32 s1, s0  }
0xbe: {  	s0 =	sadd.s32 $0x8F2B, s0  }
0xbf: {  	[sflag:s0] =	ssyncadd.remote.s32 $0x1  }
0xc0: {  	_ =	sfence.sel $0xFFFF  }
0xc1: {  	[dreg:$0x0] =	wrdreg $0xFFFFFFFF;
	(pc) =	sbr.abs _section_cstart, $3  }
0xc2: {  	[dreg:$0x1] =	wrdreg $0xFFFFFFFF  }
0xc3: {  	_ =	task.clear_ibuf [dreg:s8], $0x2FFFF;
	_ =	strace $0x9FFFFFFF  }
0xc4: {  	(tm) =	ssettm $0x7FFFFFFF  }
0xc5: {  	_ =	shalt  }
tec
execute0_lowered:
.L_overlay_start_1:
0x0: {  	(tag) =	ssettag $0x1  }
0x1: {  	v0 =	vlaneseq.u32  }
0x2: {  	v16 =	vmul.u32 $0x88, v0;
	_ =	sdelay $0x1  }
0x3: {  	v0 =	vor.u32 $0x1, v16  }
0x4: {  	v49 =	vor.u32 $0x6, v16;
	[tilespmem:$0x1FE50] =	vst v0  }
0x5: {  	v50 =	vor.u32 $0x7, v16;
	[tilespmem:$0x1FE60] =	vst v49  }
0x6: {  	v51 =	vadd.s32 $0x881, v16;
	[tilespmem:$0x1FE70] =	vst v50  }
0x7: {  	v52 =	vadd.s32 $0x882, v16;
	[tilespmem:$0x1FE80] =	vst v51  }
0x8: {  	v53 =	vadd.s32 $0x883, v16;
	[tilespmem:$0x1FE90] =	vst v52  }
0x9: {  	v54 =	vadd.s32 $0x884, v16;
	[tilespmem:$0x1FEA0] =	vst v53  }
0xa: {  	v55 =	vadd.s32 $0x885, v16;
	[tilespmem:$0x1FEB0] =	vst v54  }
0xb: {  	v56 =	vadd.s32 $0x886, v16;
	[tilespmem:$0x1FEC0] =	vst v55  }
0xc: {  	v57 =	vadd.s32 $0x887, v16;
	[tilespmem:$0x1FED0] =	vst v56  }
0xd: {  	v58 =	vadd.s32 $0x1103, v16;
	[tilespmem:$0x1FEE0] =	vst v57  }
0xe: {  	v18 =	vor.u32 $0x2, v16;
	v20 =	vor.u32 $0x3, v16;
	v59 =	vadd.s32 $0x1104, v16;
	[tilespmem:$0x1FEF0] =	vst v58  }
0xf: {  	v22 =	vor.u32 $0x4, v16;
	v21 =	vor.u32 $0x5, v16;
	v60 =	vadd.s32 $0x1105, v16;
	[tilespmem:$0x1FF00] =	vst v59  }
0x10: {  	v24 =	vadd.s32 $0x880, v16;
	v17 =	vadd.s32 $0x1100, v16;
	v61 =	vadd.s32 $0x1981, v16;
	[tilespmem:$0x1FF10] =	vst v60  }
0x11: {  	s0 =	rddreg [dreg:$0x0];
	v19 =	vadd.s32 $0x1101, v16;
	v23 =	vadd.s32 $0x1102, v16;
	v62 =	vadd.s32 $0x1982, v16;
	[tilespmem:$0x1FF20] =	vst v61  }
0x12: {  	s1 =	rddreg [dreg:$0x1];
	s4 =	simm.s32 $0x0;
	v25 =	vadd.s32 $0x1106, v16;
	v26 =	vadd.s32 $0x1107, v16;
	v63 =	vadd.s32 $0x1983, v16;
	[tilespmem:$0x1FF30] =	vst v62  }
0x13: {  	[smem:$0x7FF] =	sst s4;
	v27 =	vadd.s32 $0x1980, v16;
	v28 =	vadd.s32 $0x1984, v16;
	v29 =	vadd.s32 $0x1985, v16;
	[tilespmem:$0x1FF40] =	vst v63  }
0x14: {  	s2 =	rddreg [dreg:$0x2];
	v30 =	vadd.s32 $0x1986, v16;
	v31 =	vadd.s32 $0x1987, v16;
	v32 =	vadd.s32 $0x2200, v16;
	_ =	strace $0x8000004A;
	[tilespmem:$0x1FF50] =	vst v18  }
0x15: {  	v33 =	vadd.s32 $0x2201, v16;
	v34 =	vadd.s32 $0x2202, v16;
	v35 =	vadd.s32 $0x2203, v16;
	[tilespmem:$0x1FF60] =	vst v21  }
0x16: {  	s5 =	srdreg.scid;
	s3 =	stileid.u32;
	s11 =	simm.s32 $0x5;
	v36 =	vadd.s32 $0x2204, v16;
	v37 =	vadd.s32 $0x2205, v16;
	v38 =	vadd.s32 $0x2206, v16;
	[tilespmem:$0x1FF70] =	vst v24  }
0x17: {  	s12 =	simm.s32 $0x400;
	s13 =	simm.s32 $0x800;
	s14 =	simm.s32 $0x6;
	v39 =	vadd.s32 $0x2207, v16;
	v40 =	vadd.s32 $0x2A80, v16;
	v41 =	vadd.s32 $0x2A81, v16;
	[tilespmem:$0x1FF80] =	vst v16  }
0x18: {  	s15 =	simm.s32 $0x4800;
	s16 =	simm.s32 $0x1;
	s17 =	simm.s32 $0x8800;
	v42 =	vadd.s32 $0x2A82, v16;
	v43 =	vadd.s32 $0x2A83, v16;
	v44 =	vadd.s32 $0x2A84, v16;
	[tilespmem:$0x1FF90] =	vst v22  }
0x19: {  	s18 =	simm.s32 $0x2;
	s19 =	simm.s32 $0x4;
	s20 =	simm.s32 $0xCC00;
	v45 =	vadd.s32 $0x2A85, v16;
	v46 =	vadd.s32 $0x2A86, v16;
	v47 =	vadd.s32 $0x2A87, v16;
	[tilespmem:$0x1FFA0] =	vst v20  }
0x1a: {  	s21 =	simm.s32 $0x3;
	s5 =	sand.u32 $0x1, s5;
	s6 =	sshll.u32 s3, $0x1;
	v48 =	vadd.s32 $0x3300, v16;
	v49 =	vadd.s32 $0x3301, v16;
	v50 =	vadd.s32 $0x3302, v16;
	[tilespmem:$0x1FFB0] =	vst v17  }
0x1b: {  	s22 =	simm.s32 $0x0;
	s7 =	ssub.s32 $0x2, s5;
	s5 =	sor.u32 s5, s6;
	v51 =	vadd.s32 $0x3303, v16;
	v52 =	vadd.s32 $0x3304, v16;
	v53 =	vadd.s32 $0x3305, v16;
	[tilespmem:$0x1FFC0] =	vst v19  }
0x1c: {  	s6 =	sadd.s32 $0x800, s1;
	s31 =	sshrl.u32 s7, $0x1;
	s9 =	sshll.u32 s5, $0x7;
	v54 =	vadd.s32 $0x3306, v16;
	v55 =	vadd.s32 $0x3307, v16;
	v56 =	vadd.s32 $0x3B80, v16;
	[tilespmem:$0x1FFD0] =	vst v23  }
0x1d: {  	s8 =	sshll.u32 s5, $0xA;
	s1 =	ssub.s32 s7, s31;
	s7 =	sadd.s32 s0, s9;
	v57 =	vadd.s32 $0x3B81, v16;
	v58 =	vadd.s32 $0x3B82, v16;
	v59 =	vadd.s32 $0x3B83, v16;
	[tilespmem:$0x1FFE0] =	vst v27  }
0x1e: {  	s8 =	sor.u32 $0x8000, s8;
	s9 =	sadd.s32 s2, s9;
	v60 =	vadd.s32 $0x3B84, v16;
	v61 =	vadd.s32 $0x3B85, v16;
	v62 =	vadd.s32 $0x3B86, v16;
	s10 =	smax.u32 s1, $0x1;
	[tilespmem:$0x1FFF0] =	vst v26  }
.LBB2_1:
0x1f: {  	[tilespmem:s4], [sflag:$0x5] =	stream.linear.gather [hbm4b:s7+s4], $0x400, $0x38;
	[tilespmem:$0x11000] =	vst v63  }
0x20: {  	_ =	swait.ge [sflag:s11], $0x400  }
0x21: {  	[sflag:s11] =	ssyncset.done $0x0  }
0x22: {  	s23 =	simm.s32 $0x0;
	[sflag:s11] =	ssyncadd.s32 $0xFFFFFC00  }
0x23: {  	[tilespmem:s13], [sflag:$0x1] =	stream.indirect.gather [hbm4b:s6+s12], $0x10, s4, s12, $0xb8;
	[tilespmem:$0x11000] =	vst v63  }
.LBB2_2:
0x24: {  	s1 =	sshll.u32 s23, $0x10  }
0x25: {  	s24 =	sshrl.u32 s23, $0x1;
	s1 =	sand.u32 $0x10000, s1  }
0x26: {  	s28 =	sshll.u32 s24, $0x11;
	s25 =	sor.u32 s8, s1  }
0x27: {  	s1 =	sor.u32 s28, s25  }
0x28: {  	s1 =	sshrl.u32 s1, $0x3  }
0x29: {  	s1 =	sadd.s32 s0, s1  }
0x2a: {  	[tilespmem:s12], [sflag:$0x6] =	stream.linear.gather [hbm4b:s1+s4], $0x400, $0x38;
	[tilespmem:$0x11000] =	vst v63  }
0x2b: {  	_ =	swait.ge [sflag:s14], $0x400  }
0x2c: {  	[sflag:s14] =	ssyncset.done $0x0  }
0x2d: {  	[sflag:s14] =	ssyncadd.s32 $0xFFFFFC00  }
0x2e: {  	[tilespmem:s15], [sflag:$0x2] =	stream.indirect.gather [hbm4b:s6+s12], $0x10, s12, s12, $0xb8;
	[tilespmem:$0x11000] =	vst v63  }
0x2f: {  	_ =	swait.ge [sflag:s16], $0x4000  }
0x30: {  	p0 =	seq.s32 s23, $0x0;
	[sflag:s16] =	ssyncset.done $0x0  }
0x31: {  	s1 =	simm.s32 @!p0 $0x3;
	[sflag:s16] =	ssyncadd.s32 $0xFFFFC000  }
0x32: {  	_ =	swait.ge @!p0 [sflag:s1], $0x4000  }
0x33: {  	[sflag:s1] =	ssyncset.done @!p0 $0x0  }
0x34: {  	v11 =	vimm.s32 $0x0;
	s31 =	simm.s32 $0x840;
	[sflag:s1] =	ssyncadd.s32 @!p0 $0xFFFFC000  }
0x35: {  	v4 =	vadd.s32 v22, v11;
	v2 =	vld [tilespmem:s31+$0x0];
	_ =	sdelay $0x3  }
0x36: {  	v23 =	vld [tilespmem:$0x1FE50]  }
0x37: {  	v19 =	vld [tilespmem:$0x1FE70];
	[tilespmem:v4+s17+$0x0] =	vst.idx.msk $0xffff, v2  }
0x38: {  	v17 =	vld [tilespmem:$0x1FE60];
	_ =	sdelay $0x1  }
0x39: {  	v7 =	vadd.s32 v16, v11;
	v6 =	vld [tilespmem:s31+$0xFFFFFFC0]  }
0x3a: {  	v9 =	vld [tilespmem:s31+$0xFFFFFFD0];
	v10 =	vadd.s32 v23, v11  }
0x3b: {  	v1 =	vld [tilespmem:s31+$0x30];
	v3 =	vadd.s32 v19, v11  }
0x3c: {  	v63 =	vld [tilespmem:s31+$0x20];
	v4 =	vadd.s32 v17, v11  }
0x3d: {  	v5 =	vadd.s32 v20, v11;
	v0 =	vld [tilespmem:s31+$0xFFFFFFF0]  }
0x3e: {  	v8 =	vadd.s32 v21, v11;
	[tilespmem:v7+s17+$0x0] =	vst.idx.msk $0xffff, v6;
	v7 =	vld [tilespmem:s31+$0x10]  }
0x3f: {  	s26 =	sshll.u32 s23, $0x6;
	s29 =	simm.s32 $0x0;
	s30 =	simm.s32 $0x8C0;
	v2 =	vadd.s32 v18, v11;
	v6 =	vadd.s32 $0x8, v11;
	[tilespmem:v10+s17+$0x0] =	vst.idx.msk $0xffff, v9;
	v9 =	vld [tilespmem:s31+$0xFFFFFFE0]  }
.LBB2_3:
0x40: {  	v10 =	vld [tilespmem:s30+$0x0];
	v11 =	vadd.s32 v22, v6;
	s29 =	sadd.s32 $0x8, s29;
	[tilespmem:v3+s17+$0x0] =	vst.idx.msk $0xffff, v1;
	s28 =	simm.s32 $0x1070  }
0x41: {  	v13 =	vadd.s32 v16, v6;
	v12 =	vld [tilespmem:s30+$0xFFFFFFC0];
	p1 =	slt.u32 s29, $0x78;
	[tilespmem:v4+s17+$0x0] =	vst.idx.msk $0xffff, v63  }
0x42: {  	v15 =	vadd.s32 v23, v6;
	v14 =	vld [tilespmem:s30+$0xFFFFFFD0];
	[tilespmem:v5+s17+$0x0] =	vst.idx.msk $0xffff, v0  }
.Ltmp0:
0x43: {  	v3 =	vadd.s32 v19, v6;
	v1 =	vld [tilespmem:s30+$0x30];
	[tilespmem:v8+s17+$0x0] =	vst.idx.msk $0xffff, v7;
	(pc) =	sbr.rel @p1 .LBB2_3-.Ltmp0, $4  }
0x44: {  	v4 =	vadd.s32 v17, v6;
	v63 =	vld [tilespmem:s30+$0x20];
	[tilespmem:v2+s17+$0x0] =	vst.idx.msk $0xffff, v9  }
0x45: {  	v5 =	vadd.s32 v20, v6;
	v0 =	vld [tilespmem:s30+$0xFFFFFFF0];
	[tilespmem:v11+s17+$0x0] =	vst.idx.msk $0xffff, v10  }
0x46: {  	v8 =	vadd.s32 v21, v6;
	v2 =	vadd.s32 v18, v6;
	[tilespmem:v13+s17+$0x0] =	vst.idx.msk $0xffff, v12;
	v7 =	vld [tilespmem:s30+$0x10]  }
0x47: {  	v6 =	vadd.s32 $0x8, v6;
	[tilespmem:v15+s17+$0x0] =	vst.idx.msk $0xffff, v14;
	v9 =	vld [tilespmem:s30+$0xFFFFFFE0];
	s30 =	sadd.s32 $0x80, s30  }
0x48: {  	_ =	sdelay $0x3  }
0x49: {  	[tilespmem:v3+s17+$0x0] =	vst.idx.msk $0xffff, v1  }
0x4a: {  	[tilespmem:v4+s17+$0x0] =	vst.idx.msk $0xffff, v63  }
0x4b: {  	[tilespmem:v5+s17+$0x0] =	vst.idx.msk $0xffff, v0  }
0x4c: {  	[tilespmem:v8+s17+$0x0] =	vst.idx.msk $0xffff, v7  }
0x4d: {  	[tilespmem:v2+s17+$0x0] =	vst.idx.msk $0xffff, v9  }
0x4e: {  	v19 =	vld [tilespmem:$0x1FEB0];
	_ =	sdelay $0x3  }
0x4f: {  	v11 =	vimm.s32 $0x0  }
0x50: {  	v3 =	vld [tilespmem:s28+$0xFFFFFFD0];
	v5 =	vadd.s32 v19, v11;
	_ =	sdelay $0x1  }
0x51: {  	v7 =	vadd.s32 v24, v11;
	v6 =	vld [tilespmem:s28+$0xFFFFFF90]  }
0x52: {  	v8 =	vld [tilespmem:s28+$0xFFFFFFA0]  }
0x53: {  	v18 =	vld [tilespmem:$0x1FE80]  }
0x54: {  	v17 =	vld [tilespmem:$0x1FEE0];
	[tilespmem:v5+s17+$0x0] =	vst.idx.msk $0xffff, v3  }
0x55: {  	v22 =	vld [tilespmem:$0x1FED0]  }
0x56: {  	v20 =	vld [tilespmem:$0x1FEA0];
	[tilespmem:v7+s17+$0x0] =	vst.idx.msk $0xffff, v6  }
0x57: {  	v23 =	vld [tilespmem:$0x1FEC0]  }
0x58: {  	v10 =	vadd.s32 v18, v11;
	v21 =	vld [tilespmem:$0x1FE90]  }
0x59: {  	v2 =	vld [tilespmem:s28+$0x0];
	v4 =	vadd.s32 v17, v11  }
0x5a: {  	v0 =	vld [tilespmem:s28+$0xFFFFFFF0];
	v5 =	vadd.s32 v22, v11  }
0x5b: {  	v1 =	vld [tilespmem:s28+$0xFFFFFFC0];
	v63 =	vadd.s32 v20, v11  }
0x5c: {  	v7 =	vld [tilespmem:s28+$0xFFFFFFE0];
	v9 =	vadd.s32 v23, v11  }
0x5d: {  	s29 =	simm.s32 $0x0;
	s30 =	simm.s32 $0x10F0;
	v6 =	vadd.s32 $0x8, v11;
	[tilespmem:v10+s17+$0x0] =	vst.idx.msk $0xffff, v8;
	v8 =	vld [tilespmem:s28+$0xFFFFFFB0];
	v3 =	vadd.s32 v21, v11  }
.LBB2_5:
0x5e: {  	v10 =	vld [tilespmem:s30+$0xFFFFFFD0];
	v11 =	vadd.s32 v19, v6;
	s29 =	sadd.s32 $0x8, s29;
	[tilespmem:v4+s17+$0x0] =	vst.idx.msk $0xffff, v2;
	s28 =	simm.s32 $0x1870  }
0x5f: {  	v13 =	vadd.s32 v24, v6;
	v12 =	vld [tilespmem:s30+$0xFFFFFF90];
	p1 =	slt.u32 s29, $0x78;
	[tilespmem:v5+s17+$0x0] =	vst.idx.msk $0xffff, v0  }
0x60: {  	v15 =	vadd.s32 v18, v6;
	v14 =	vld [tilespmem:s30+$0xFFFFFFA0];
	[tilespmem:v63+s17+$0x0] =	vst.idx.msk $0xffff, v1  }
.Ltmp1:
0x61: {  	v4 =	vadd.s32 v17, v6;
	v2 =	vld [tilespmem:s30+$0x0];
	[tilespmem:v9+s17+$0x0] =	vst.idx.msk $0xffff, v7;
	(pc) =	sbr.rel @p1 .LBB2_5-.Ltmp1, $4  }
0x62: {  	v5 =	vadd.s32 v22, v6;
	v0 =	vld [tilespmem:s30+$0xFFFFFFF0];
	[tilespmem:v3+s17+$0x0] =	vst.idx.msk $0xffff, v8  }
0x63: {  	v63 =	vadd.s32 v20, v6;
	v1 =	vld [tilespmem:s30+$0xFFFFFFC0];
	[tilespmem:v11+s17+$0x0] =	vst.idx.msk $0xffff, v10  }
0x64: {  	v9 =	vadd.s32 v23, v6;
	v3 =	vadd.s32 v21, v6;
	[tilespmem:v13+s17+$0x0] =	vst.idx.msk $0xffff, v12;
	v7 =	vld [tilespmem:s30+$0xFFFFFFE0]  }
0x65: {  	v6 =	vadd.s32 $0x8, v6;
	[tilespmem:v15+s17+$0x0] =	vst.idx.msk $0xffff, v14;
	v8 =	vld [tilespmem:s30+$0xFFFFFFB0];
	s30 =	sadd.s32 $0x80, s30  }
0x66: {  	_ =	sdelay $0x3  }
0x67: {  	[tilespmem:v4+s17+$0x0] =	vst.idx.msk $0xffff, v2  }
0x68: {  	[tilespmem:v5+s17+$0x0] =	vst.idx.msk $0xffff, v0  }
0x69: {  	[tilespmem:v63+s17+$0x0] =	vst.idx.msk $0xffff, v1  }
0x6a: {  	[tilespmem:v9+s17+$0x0] =	vst.idx.msk $0xffff, v7  }
0x6b: {  	[tilespmem:v3+s17+$0x0] =	vst.idx.msk $0xffff, v8  }
0x6c: {  	v21 =	vld [tilespmem:$0x1FF00]  }
0x6d: {  	v17 =	vld [tilespmem:$0x1FFB0];
	_ =	sdelay $0x2  }
0x6e: {  	v23 =	vimm.s32 $0x0  }
0x6f: {  	v3 =	vld [tilespmem:s28+$0xFFFFFFD0];
	v5 =	vadd.s32 v21, v23  }
0x70: {  	v6 =	vld [tilespmem:s28+$0xFFFFFF90];
	v7 =	vadd.s32 v17, v23;
	_ =	sdelay $0x1  }
0x71: {  	v18 =	vld [tilespmem:$0x1FFC0];
	_ =	sdelay $0x1  }
0x72: {  	v9 =	vld [tilespmem:s28+$0xFFFFFFA0];
	[tilespmem:v5+s17+$0x0] =	vst.idx.msk $0xffff, v3  }
0x73: {  	v20 =	vld [tilespmem:$0x1FEF0];
	[tilespmem:v7+s17+$0x0] =	vst.idx.msk $0xffff, v6  }
0x74: {  	v22 =	vld [tilespmem:$0x1FF10]  }
0x75: {  	v10 =	vadd.s32 v18, v23;
	v19 =	vld [tilespmem:$0x1FFD0]  }
0x76: {  	v4 =	vadd.s32 v26, v23;
	v2 =	vld [tilespmem:s28+$0x0]  }
0x77: {  	v0 =	vld [tilespmem:s28+$0xFFFFFFF0];
	v5 =	vadd.s32 v25, v23  }
0x78: {  	v1 =	vld [tilespmem:s28+$0xFFFFFFC0];
	v63 =	vadd.s32 v20, v23  }
0x79: {  	v7 =	vld [tilespmem:s28+$0xFFFFFFE0];
	v8 =	vadd.s32 v22, v23  }
0x7a: {  	s29 =	simm.s32 $0x0;
	s30 =	simm.s32 $0x18F0;
	v6 =	vadd.s32 $0x8, v23;
	[tilespmem:v10+s17+$0x0] =	vst.idx.msk $0xffff, v9;
	v9 =	vld [tilespmem:s28+$0xFFFFFFB0];
	v3 =	vadd.s32 v19, v23  }
.LBB2_7:
0x7b: {  	v10 =	vld [tilespmem:s30+$0xFFFFFFD0];
	v11 =	vadd.s32 v21, v6;
	s29 =	sadd.s32 $0x8, s29;
	[tilespmem:v4+s17+$0x0] =	vst.idx.msk $0xffff, v2;
	s28 =	simm.s32 $0x2070  }
0x7c: {  	v13 =	vadd.s32 v17, v6;
	v12 =	vld [tilespmem:s30+$0xFFFFFF90];
	p1 =	slt.u32 s29, $0x78;
	[tilespmem:v5+s17+$0x0] =	vst.idx.msk $0xffff, v0  }
0x7d: {  	v15 =	vadd.s32 v18, v6;
	v14 =	vld [tilespmem:s30+$0xFFFFFFA0];
	[tilespmem:v63+s17+$0x0] =	vst.idx.msk $0xffff, v1  }
.Ltmp2:
0x7e: {  	v4 =	vadd.s32 v26, v6;
	v2 =	vld [tilespmem:s30+$0x0];
	[tilespmem:v8+s17+$0x0] =	vst.idx.msk $0xffff, v7;
	(pc) =	sbr.rel @p1 .LBB2_7-.Ltmp2, $4  }
0x7f: {  	v5 =	vadd.s32 v25, v6;
	v0 =	vld [tilespmem:s30+$0xFFFFFFF0];
	[tilespmem:v3+s17+$0x0] =	vst.idx.msk $0xffff, v9  }
0x80: {  	v63 =	vadd.s32 v20, v6;
	v1 =	vld [tilespmem:s30+$0xFFFFFFC0];
	[tilespmem:v11+s17+$0x0] =	vst.idx.msk $0xffff, v10  }
0x81: {  	v8 =	vadd.s32 v22, v6;
	v3 =	vadd.s32 v19, v6;
	[tilespmem:v13+s17+$0x0] =	vst.idx.msk $0xffff, v12;
	v7 =	vld [tilespmem:s30+$0xFFFFFFE0]  }
0x82: {  	v6 =	vadd.s32 $0x8, v6;
	[tilespmem:v15+s17+$0x0] =	vst.idx.msk $0xffff, v14;
	v9 =	vld [tilespmem:s30+$0xFFFFFFB0];
	s30 =	sadd.s32 $0x80, s30  }
0x83: {  	_ =	sdelay $0x3  }
0x84: {  	[tilespmem:v4+s17+$0x0] =	vst.idx.msk $0xffff, v2  }
0x85: {  	[tilespmem:v5+s17+$0x0] =	vst.idx.msk $0xffff, v0  }
0x86: {  	[tilespmem:v63+s17+$0x0] =	vst.idx.msk $0xffff, v1  }
0x87: {  	[tilespmem:v8+s17+$0x0] =	vst.idx.msk $0xffff, v7  }
0x88: {  	[tilespmem:v3+s17+$0x0] =	vst.idx.msk $0xffff, v9  }
0x89: {  	v5 =	vadd.s32 v28, v23;
	v3 =	vld [tilespmem:s28+$0xFFFFFFD0]  }
0x8a: {  	v6 =	vld [tilespmem:s28+$0xFFFFFF90]  }
0x8b: {  	v7 =	vadd.s32 v27, v23;
	v17 =	vld [tilespmem:$0x1FF20];
	_ =	sdelay $0x2  }
0x8c: {  	v8 =	vld [tilespmem:s28+$0xFFFFFFA0];
	[tilespmem:v5+s17+$0x0] =	vst.idx.msk $0xffff, v3  }
0x8d: {  	v19 =	vld [tilespmem:$0x1FF40]  }
0x8e: {  	v2 =	vld [tilespmem:s28+$0x0];
	v10 =	vadd.s32 v17, v23;
	[tilespmem:v7+s17+$0x0] =	vst.idx.msk $0xffff, v6  }
0x8f: {  	v18 =	vld [tilespmem:$0x1FF30]  }
0x90: {  	v4 =	vadd.s32 v31, v23;
	v0 =	vld [tilespmem:s28+$0xFFFFFFF0]  }
0x91: {  	v1 =	vld [tilespmem:s28+$0xFFFFFFC0];
	v5 =	vadd.s32 v30, v23  }
0x92: {  	v7 =	vld [tilespmem:s28+$0xFFFFFFE0];
	v63 =	vadd.s32 v19, v23  }
0x93: {  	v9 =	vadd.s32 v29, v23;
	[tilespmem:v10+s17+$0x0] =	vst.idx.msk $0xffff, v8;
	v8 =	vld [tilespmem:s28+$0xFFFFFFB0]  }
0x94: {  	s29 =	simm.s32 $0x0;
	s30 =	simm.s32 $0x20F0;
	v6 =	vadd.s32 $0x8, v23;
	v3 =	vadd.s32 v18, v23;
	v23 =	vld [tilespmem:$0x1FE60]  }
.LBB2_9:
0x95: {  	v10 =	vld [tilespmem:s30+$0xFFFFFFD0];
	v11 =	vadd.s32 v28, v6;
	s29 =	sadd.s32 $0x8, s29;
	[tilespmem:v4+s17+$0x0] =	vst.idx.msk $0xffff, v2;
	s28 =	simm.s32 $0x2870  }
0x96: {  	v13 =	vadd.s32 v27, v6;
	v12 =	vld [tilespmem:s30+$0xFFFFFF90];
	p1 =	slt.u32 s29, $0x78;
	[tilespmem:v5+s17+$0x0] =	vst.idx.msk $0xffff, v0  }
0x97: {  	v15 =	vadd.s32 v17, v6;
	v14 =	vld [tilespmem:s30+$0xFFFFFFA0];
	[tilespmem:v63+s17+$0x0] =	vst.idx.msk $0xffff, v1  }
.Ltmp3:
0x98: {  	v4 =	vadd.s32 v31, v6;
	v2 =	vld [tilespmem:s30+$0x0];
	[tilespmem:v9+s17+$0x0] =	vst.idx.msk $0xffff, v7;
	(pc) =	sbr.rel @p1 .LBB2_9-.Ltmp3, $4  }
0x99: {  	v5 =	vadd.s32 v30, v6;
	v0 =	vld [tilespmem:s30+$0xFFFFFFF0];
	[tilespmem:v3+s17+$0x0] =	vst.idx.msk $0xffff, v8  }
0x9a: {  	v63 =	vadd.s32 v19, v6;
	v1 =	vld [tilespmem:s30+$0xFFFFFFC0];
	[tilespmem:v11+s17+$0x0] =	vst.idx.msk $0xffff, v10  }
0x9b: {  	v9 =	vadd.s32 v29, v6;
	v3 =	vadd.s32 v18, v6;
	[tilespmem:v13+s17+$0x0] =	vst.idx.msk $0xffff, v12;
	v7 =	vld [tilespmem:s30+$0xFFFFFFE0]  }
0x9c: {  	v6 =	vadd.s32 $0x8, v6;
	[tilespmem:v15+s17+$0x0] =	vst.idx.msk $0xffff, v14;
	v8 =	vld [tilespmem:s30+$0xFFFFFFB0];
	s30 =	sadd.s32 $0x80, s30  }
0x9d: {  	_ =	sdelay $0x3  }
0x9e: {  	[tilespmem:v4+s17+$0x0] =	vst.idx.msk $0xffff, v2  }
0x9f: {  	[tilespmem:v5+s17+$0x0] =	vst.idx.msk $0xffff, v0  }
0xa0: {  	[tilespmem:v63+s17+$0x0] =	vst.idx.msk $0xffff, v1  }
0xa1: {  	[tilespmem:v9+s17+$0x0] =	vst.idx.msk $0xffff, v7  }
0xa2: {  	v17 =	vimm.s32 $0x0;
	[tilespmem:v3+s17+$0x0] =	vst.idx.msk $0xffff, v8  }
0xa3: {  	v5 =	vadd.s32 v36, v17;
	v3 =	vld [tilespmem:s28+$0xFFFFFFD0]  }
0xa4: {  	v7 =	vadd.s32 v32, v17;
	v6 =	vld [tilespmem:s28+$0xFFFFFF90]  }
0xa5: {  	v10 =	vadd.s32 v33, v17;
	v9 =	vld [tilespmem:s28+$0xFFFFFFA0];
	_ =	sdelay $0x2  }
0xa6: {  	[tilespmem:v5+s17+$0x0] =	vst.idx.msk $0xffff, v3  }
0xa7: {  	v2 =	vld [tilespmem:s28+$0x0];
	[tilespmem:v7+s17+$0x0] =	vst.idx.msk $0xffff, v6  }
0xa8: {  	v0 =	vld [tilespmem:s28+$0xFFFFFFF0];
	[tilespmem:v10+s17+$0x0] =	vst.idx.msk $0xffff, v9  }
0xa9: {  	v4 =	vadd.s32 v39, v17;
	v21 =	vld [tilespmem:$0x1FF90]  }
0xaa: {  	v1 =	vld [tilespmem:s28+$0xFFFFFFC0];
	v5 =	vadd.s32 v38, v17  }
0xab: {  	v63 =	vadd.s32 v35, v17;
	v7 =	vld [tilespmem:s28+$0xFFFFFFE0]  }
0xac: {  	v8 =	vadd.s32 v37, v17;
	v9 =	vld [tilespmem:s28+$0xFFFFFFB0]  }
0xad: {  	s29 =	simm.s32 $0x0;
	s30 =	simm.s32 $0x28F0;
	v3 =	vadd.s32 v34, v17;
	v6 =	vadd.s32 $0x8, v17;
	v20 =	vld [tilespmem:$0x1FFA0]  }
.LBB2_11:
0xae: {  	v10 =	vld [tilespmem:s30+$0xFFFFFFD0];
	v11 =	vadd.s32 v36, v6;
	s29 =	sadd.s32 $0x8, s29;
	[tilespmem:v4+s17+$0x0] =	vst.idx.msk $0xffff, v2;
	s28 =	simm.s32 $0x3070  }
0xaf: {  	v13 =	vadd.s32 v32, v6;
	v12 =	vld [tilespmem:s30+$0xFFFFFF90];
	p1 =	slt.u32 s29, $0x78;
	[tilespmem:v5+s17+$0x0] =	vst.idx.msk $0xffff, v0  }
0xb0: {  	v15 =	vadd.s32 v33, v6;
	v14 =	vld [tilespmem:s30+$0xFFFFFFA0];
	[tilespmem:v63+s17+$0x0] =	vst.idx.msk $0xffff, v1  }
.Ltmp4:
0xb1: {  	v4 =	vadd.s32 v39, v6;
	v2 =	vld [tilespmem:s30+$0x0];
	[tilespmem:v8+s17+$0x0] =	vst.idx.msk $0xffff, v7;
	(pc) =	sbr.rel @p1 .LBB2_11-.Ltmp4, $4  }
0xb2: {  	v5 =	vadd.s32 v38, v6;
	v0 =	vld [tilespmem:s30+$0xFFFFFFF0];
	[tilespmem:v3+s17+$0x0] =	vst.idx.msk $0xffff, v9  }
0xb3: {  	v63 =	vadd.s32 v35, v6;
	v1 =	vld [tilespmem:s30+$0xFFFFFFC0];
	[tilespmem:v11+s17+$0x0] =	vst.idx.msk $0xffff, v10  }
0xb4: {  	v8 =	vadd.s32 v37, v6;
	v3 =	vadd.s32 v34, v6;
	[tilespmem:v13+s17+$0x0] =	vst.idx.msk $0xffff, v12;
	v7 =	vld [tilespmem:s30+$0xFFFFFFE0]  }
0xb5: {  	v6 =	vadd.s32 $0x8, v6;
	[tilespmem:v15+s17+$0x0] =	vst.idx.msk $0xffff, v14;
	v9 =	vld [tilespmem:s30+$0xFFFFFFB0];
	s30 =	sadd.s32 $0x80, s30  }
0xb6: {  	_ =	sdelay $0x3  }
0xb7: {  	[tilespmem:v4+s17+$0x0] =	vst.idx.msk $0xffff, v2  }
0xb8: {  	[tilespmem:v5+s17+$0x0] =	vst.idx.msk $0xffff, v0  }
0xb9: {  	[tilespmem:v63+s17+$0x0] =	vst.idx.msk $0xffff, v1  }
0xba: {  	[tilespmem:v8+s17+$0x0] =	vst.idx.msk $0xffff, v7  }
0xbb: {  	[tilespmem:v3+s17+$0x0] =	vst.idx.msk $0xffff, v9  }
0xbc: {  	v5 =	vadd.s32 v44, v17;
	v3 =	vld [tilespmem:s28+$0xFFFFFFD0];
	_ =	sdelay $0x1  }
0xbd: {  	v7 =	vadd.s32 v40, v17;
	v6 =	vld [tilespmem:s28+$0xFFFFFF90]  }
0xbe: {  	v10 =	vadd.s32 v41, v17;
	v8 =	vld [tilespmem:s28+$0xFFFFFFA0]  }
0xbf: {  	v4 =	vadd.s32 v47, v17;
	v2 =	vld [tilespmem:s28+$0x0]  }
0xc0: {  	v0 =	vld [tilespmem:s28+$0xFFFFFFF0];
	[tilespmem:v5+s17+$0x0] =	vst.idx.msk $0xffff, v3;
	v5 =	vadd.s32 v46, v17  }
0xc1: {  	v63 =	vadd.s32 v43, v17;
	v1 =	vld [tilespmem:s28+$0xFFFFFFC0]  }
0xc2: {  	v9 =	vadd.s32 v45, v17;
	[tilespmem:v7+s17+$0x0] =	vst.idx.msk $0xffff, v6;
	v7 =	vld [tilespmem:s28+$0xFFFFFFE0]  }
0xc3: {  	s29 =	simm.s32 $0x0;
	s30 =	simm.s32 $0x30F0;
	v3 =	vadd.s32 v42, v17;
	[tilespmem:v10+s17+$0x0] =	vst.idx.msk $0xffff, v8;
	v8 =	vld [tilespmem:s28+$0xFFFFFFB0];
	v6 =	vadd.s32 $0x8, v17  }
.LBB2_13:
0xc4: {  	v10 =	vld [tilespmem:s30+$0xFFFFFFD0];
	v11 =	vadd.s32 v44, v6;
	s29 =	sadd.s32 $0x8, s29;
	[tilespmem:v4+s17+$0x0] =	vst.idx.msk $0xffff, v2;
	s28 =	simm.s32 $0x3870  }
0xc5: {  	v13 =	vadd.s32 v40, v6;
	v12 =	vld [tilespmem:s30+$0xFFFFFF90];
	p1 =	slt.u32 s29, $0x78;
	[tilespmem:v5+s17+$0x0] =	vst.idx.msk $0xffff, v0  }
0xc6: {  	v15 =	vadd.s32 v41, v6;
	v14 =	vld [tilespmem:s30+$0xFFFFFFA0];
	[tilespmem:v63+s17+$0x0] =	vst.idx.msk $0xffff, v1  }
.Ltmp5:
0xc7: {  	v4 =	vadd.s32 v47, v6;
	v2 =	vld [tilespmem:s30+$0x0];
	[tilespmem:v9+s17+$0x0] =	vst.idx.msk $0xffff, v7;
	(pc) =	sbr.rel @p1 .LBB2_13-.Ltmp5, $4  }
0xc8: {  	v5 =	vadd.s32 v46, v6;
	v0 =	vld [tilespmem:s30+$0xFFFFFFF0];
	[tilespmem:v3+s17+$0x0] =	vst.idx.msk $0xffff, v8  }
0xc9: {  	v63 =	vadd.s32 v43, v6;
	v1 =	vld [tilespmem:s30+$0xFFFFFFC0];
	[tilespmem:v11+s17+$0x0] =	vst.idx.msk $0xffff, v10  }
0xca: {  	v9 =	vadd.s32 v45, v6;
	v3 =	vadd.s32 v42, v6;
	[tilespmem:v13+s17+$0x0] =	vst.idx.msk $0xffff, v12;
	v7 =	vld [tilespmem:s30+$0xFFFFFFE0]  }
0xcb: {  	v6 =	vadd.s32 $0x8, v6;
	[tilespmem:v15+s17+$0x0] =	vst.idx.msk $0xffff, v14;
	v8 =	vld [tilespmem:s30+$0xFFFFFFB0];
	s30 =	sadd.s32 $0x80, s30  }
0xcc: {  	_ =	sdelay $0x3  }
0xcd: {  	[tilespmem:v4+s17+$0x0] =	vst.idx.msk $0xffff, v2  }
0xce: {  	[tilespmem:v5+s17+$0x0] =	vst.idx.msk $0xffff, v0  }
0xcf: {  	[tilespmem:v63+s17+$0x0] =	vst.idx.msk $0xffff, v1  }
0xd0: {  	[tilespmem:v9+s17+$0x0] =	vst.idx.msk $0xffff, v7  }
0xd1: {  	v17 =	vimm.s32 $0x0;
	[tilespmem:v3+s17+$0x0] =	vst.idx.msk $0xffff, v8  }
0xd2: {  	v5 =	vadd.s32 v52, v17;
	v3 =	vld [tilespmem:s28+$0xFFFFFFD0];
	_ =	sdelay $0x1  }
0xd3: {  	v7 =	vadd.s32 v48, v17;
	v6 =	vld [tilespmem:s28+$0xFFFFFF90]  }
0xd4: {  	v10 =	vadd.s32 v49, v17;
	v9 =	vld [tilespmem:s28+$0xFFFFFFA0]  }
0xd5: {  	v4 =	vadd.s32 v55, v17;
	v2 =	vld [tilespmem:s28+$0x0]  }
0xd6: {  	v0 =	vld [tilespmem:s28+$0xFFFFFFF0];
	[tilespmem:v5+s17+$0x0] =	vst.idx.msk $0xffff, v3;
	v5 =	vadd.s32 v54, v17  }
0xd7: {  	v63 =	vadd.s32 v51, v17;
	v1 =	vld [tilespmem:s28+$0xFFFFFFC0]  }
0xd8: {  	v8 =	vadd.s32 v53, v17;
	[tilespmem:v7+s17+$0x0] =	vst.idx.msk $0xffff, v6;
	v7 =	vld [tilespmem:s28+$0xFFFFFFE0]  }
0xd9: {  	s29 =	simm.s32 $0x0;
	s30 =	simm.s32 $0x38F0;
	v3 =	vadd.s32 v50, v17;
	[tilespmem:v10+s17+$0x0] =	vst.idx.msk $0xffff, v9;
	v9 =	vld [tilespmem:s28+$0xFFFFFFB0];
	v6 =	vadd.s32 $0x8, v17  }
.LBB2_15:
0xda: {  	v10 =	vld [tilespmem:s30+$0xFFFFFFD0];
	v11 =	vadd.s32 v52, v6;
	s29 =	sadd.s32 $0x8, s29;
	[tilespmem:v4+s17+$0x0] =	vst.idx.msk $0xffff, v2;
	s28 =	simm.s32 $0x4070  }
0xdb: {  	v13 =	vadd.s32 v48, v6;
	v12 =	vld [tilespmem:s30+$0xFFFFFF90];
	p1 =	slt.u32 s29, $0x78;
	[tilespmem:v5+s17+$0x0] =	vst.idx.msk $0xffff, v0  }
0xdc: {  	v15 =	vadd.s32 v49, v6;
	v14 =	vld [tilespmem:s30+$0xFFFFFFA0];
	[tilespmem:v63+s17+$0x0] =	vst.idx.msk $0xffff, v1  }
.Ltmp6:
0xdd: {  	v4 =	vadd.s32 v55, v6;
	v2 =	vld [tilespmem:s30+$0x0];
	[tilespmem:v8+s17+$0x0] =	vst.idx.msk $0xffff, v7;
	(pc) =	sbr.rel @p1 .LBB2_15-.Ltmp6, $4  }
0xde: {  	v5 =	vadd.s32 v54, v6;
	v0 =	vld [tilespmem:s30+$0xFFFFFFF0];
	[tilespmem:v3+s17+$0x0] =	vst.idx.msk $0xffff, v9  }
0xdf: {  	v63 =	vadd.s32 v51, v6;
	v1 =	vld [tilespmem:s30+$0xFFFFFFC0];
	[tilespmem:v11+s17+$0x0] =	vst.idx.msk $0xffff, v10  }
0xe0: {  	v8 =	vadd.s32 v53, v6;
	v3 =	vadd.s32 v50, v6;
	[tilespmem:v13+s17+$0x0] =	vst.idx.msk $0xffff, v12;
	v7 =	vld [tilespmem:s30+$0xFFFFFFE0]  }
0xe1: {  	v6 =	vadd.s32 $0x8, v6;
	[tilespmem:v15+s17+$0x0] =	vst.idx.msk $0xffff, v14;
	v9 =	vld [tilespmem:s30+$0xFFFFFFB0];
	s30 =	sadd.s32 $0x80, s30  }
0xe2: {  	_ =	sdelay $0x3  }
0xe3: {  	[tilespmem:v4+s17+$0x0] =	vst.idx.msk $0xffff, v2  }
0xe4: {  	[tilespmem:v5+s17+$0x0] =	vst.idx.msk $0xffff, v0  }
0xe5: {  	[tilespmem:v63+s17+$0x0] =	vst.idx.msk $0xffff, v1  }
0xe6: {  	[tilespmem:v8+s17+$0x0] =	vst.idx.msk $0xffff, v7  }
0xe7: {  	[tilespmem:v3+s17+$0x0] =	vst.idx.msk $0xffff, v9  }
0xe8: {  	v4 =	vadd.s32 v60, v17;
	v0 =	vld [tilespmem:s28+$0xFFFFFFD0]  }
0xe9: {  	v8 =	vadd.s32 v56, v17;
	v5 =	vld [tilespmem:s28+$0xFFFFFF90]  }
0xea: {  	v11 =	vadd.s32 v57, v17;
	v63 =	vadd.s32 $0x3B87, v16;
	v9 =	vld [tilespmem:s28+$0xFFFFFFA0]  }
0xeb: {  	v6 =	vadd.s32 v63, v17;
	v2 =	vld [tilespmem:s28+$0x0]  }
0xec: {  	v7 =	vadd.s32 v62, v17;
	v3 =	vld [tilespmem:s28+$0xFFFFFFF0]  }
0xed: {  	v1 =	vld [tilespmem:s28+$0xFFFFFFC0];
	[tilespmem:v4+s17+$0x0] =	vst.idx.msk $0xffff, v0;
	v4 =	vadd.s32 v59, v17  }
0xee: {  	v10 =	vadd.s32 v61, v17;
	[tilespmem:v8+s17+$0x0] =	vst.idx.msk $0xffff, v5;
	v5 =	vld [tilespmem:s28+$0xFFFFFFE0]  }
0xef: {  	s29 =	simm.s32 $0x0;
	v0 =	vadd.s32 v58, v17;
	[tilespmem:v11+s17+$0x0] =	vst.idx.msk $0xffff, v9;
	v9 =	vld [tilespmem:s28+$0xFFFFFFB0];
	v8 =	vadd.s32 $0x8, v17;
	s28 =	simm.s32 $0x40F0  }
.LBB2_17:
0xf0: {  	v11 =	vld [tilespmem:s28+$0xFFFFFFD0];
	v12 =	vadd.s32 v60, v8;
	s29 =	sadd.s32 $0x8, s29;
	[tilespmem:v6+s17+$0x0] =	vst.idx.msk $0xffff, v2  }
0xf1: {  	v14 =	vadd.s32 v56, v8;
	v13 =	vld [tilespmem:s28+$0xFFFFFF90];
	p1 =	slt.u32 s29, $0x78;
	[tilespmem:v7+s17+$0x0] =	vst.idx.msk $0xffff, v3  }
0xf2: {  	v16 =	vadd.s32 v57, v8;
	v15 =	vld [tilespmem:s28+$0xFFFFFFA0];
	[tilespmem:v4+s17+$0x0] =	vst.idx.msk $0xffff, v1  }
.Ltmp7:
0xf3: {  	v6 =	vadd.s32 v63, v8;
	v2 =	vld [tilespmem:s28+$0x0];
	[tilespmem:v10+s17+$0x0] =	vst.idx.msk $0xffff, v5;
	(pc) =	sbr.rel @p1 .LBB2_17-.Ltmp7, $4  }
0xf4: {  	v7 =	vadd.s32 v62, v8;
	v3 =	vld [tilespmem:s28+$0xFFFFFFF0];
	[tilespmem:v0+s17+$0x0] =	vst.idx.msk $0xffff, v9  }
0xf5: {  	v4 =	vadd.s32 v59, v8;
	v1 =	vld [tilespmem:s28+$0xFFFFFFC0];
	[tilespmem:v12+s17+$0x0] =	vst.idx.msk $0xffff, v11  }
0xf6: {  	v10 =	vadd.s32 v61, v8;
	v0 =	vadd.s32 v58, v8;
	[tilespmem:v14+s17+$0x0] =	vst.idx.msk $0xffff, v13;
	v5 =	vld [tilespmem:s28+$0xFFFFFFE0]  }
0xf7: {  	v8 =	vadd.s32 $0x8, v8;
	[tilespmem:v16+s17+$0x0] =	vst.idx.msk $0xffff, v15;
	v9 =	vld [tilespmem:s28+$0xFFFFFFB0];
	s28 =	sadd.s32 $0x80, s28  }
0xf8: {  	_ =	sdelay $0x3  }
0xf9: {  	[tilespmem:v6+s17+$0x0] =	vst.idx.msk $0xffff, v2  }
0xfa: {  	s1 =	sshll.u32 s23, $0x11;
	s28 =	sshll.u32 s23, $0xD;
	[tilespmem:v7+s17+$0x0] =	vst.idx.msk $0xffff, v3  }
0xfb: {  	s1 =	sand.u32 $0x7C0000, s1;
	s28 =	sand.u32 $0x2000, s28;
	[tilespmem:v4+s17+$0x0] =	vst.idx.msk $0xffff, v1  }
0xfc: {  	s1 =	sor.u32 s1, s28;
	[tilespmem:v10+s17+$0x0] =	vst.idx.msk $0xffff, v5  }
0xfd: {  	s3 =	simm.s32 $0x8800;
	s29 =	sadd.s32 s1, s9;
	[tilespmem:v0+s17+$0x0] =	vst.idx.msk $0xffff, v9  }
0xfe: {  	[hbm4b:s29+s4] =	stream.linear.scatter [tilespmem:s3], [sflag:$0x3], $0x80, $0x38;
	[tilespmem:$0x11000] =	vst v63  }
0xff: {  	s28 =	sadd.s32 $0x10, s29;
	s3 =	simm.s32 $0x8888  }
0x100: {  	[hbm4b:s28+s4] =	stream.linear.scatter [tilespmem:s3], [sflag:$0x3], $0x80, $0x38;
	[tilespmem:$0x11000] =	vst v63  }
0x101: {  	s3 =	simm.s32 $0x8910;
	s28 =	sadd.s32 $0x20, s29  }
0x102: {  	[hbm4b:s28+s4] =	stream.linear.scatter [tilespmem:s3], [sflag:$0x3], $0x80, $0x38;
	[tilespmem:$0x11000] =	vst v63  }
0x103: {  	s3 =	simm.s32 $0x8998;
	s28 =	sadd.s32 $0x30, s29  }
0x104: {  	[hbm4b:s28+s4] =	stream.linear.scatter [tilespmem:s3], [sflag:$0x3], $0x80, $0x38;
	[tilespmem:$0x11000] =	vst v63  }
0x105: {  	s3 =	simm.s32 $0x8A20;
	s28 =	sadd.s32 $0x40, s29  }
0x106: {  	[hbm4b:s28+s4] =	stream.linear.scatter [tilespmem:s3], [sflag:$0x3], $0x80, $0x38;
	[tilespmem:$0x11000] =	vst v63  }
0x107: {  	s30 =	simm.s32 $0x2200;
	s3 =	simm.s32 $0x8AA8;
	s28 =	sadd.s32 $0x50, s29  }
0x108: {  	[hbm4b:s28+s4] =	stream.linear.scatter [tilespmem:s3], [sflag:$0x3], $0x80, $0x38;
	[tilespmem:$0x11000] =	vst v63  }
0x109: {  	s31 =	simm.s32 $0x8BB8;
	s3 =	simm.s32 $0x8B30;
	s28 =	sadd.s32 $0x60, s29  }
0x10a: {  	[hbm4b:s28+s4] =	stream.linear.scatter [tilespmem:s3], [sflag:$0x3], $0x80, $0x38;
	[tilespmem:$0x11000] =	vst v63  }
0x10b: {  	s1 =	sadd.s32 $0x70, s29;
	s29 =	sadd.s32 $0x4000, s29;
	s28 =	simm.s32 $0x440  }
.LBB2_19:
0x10c: {  	[hbm4b:s1+s4] =	stream.linear.scatter [tilespmem:s31], [sflag:$0x3], $0x80, $0x38;
	[tilespmem:$0x11000] =	vst v63  }
0x10d: {  	s1 =	smov.u32 s28;
	s28 =	smov.u32 s30  }
0x10e: {  	s3 =	sadd.s32 $0x1100, s30;
	s28 =	sshra.s32 s28, $0x2;
	s31 =	sadd.s32 $0x8800, s1  }
0x10f: {  	[hbm4b:s29+s4] =	stream.linear.scatter [tilespmem:s31], [sflag:$0x3], $0x80, $0x38;
	[tilespmem:$0x11000] =	vst v63  }
0x110: {  	p1 =	sne.s32 s30, $0xFF00;
	s30 =	sadd.s32 $0x8888, s1;
	s31 =	sadd.s32 $0x10, s29  }
0x111: {  	[hbm4b:s31+s4] =	stream.linear.scatter [tilespmem:s30], [sflag:$0x3], $0x80, $0x38;
	[tilespmem:$0x11000] =	vst v63  }
0x112: {  	s30 =	sadd.s32 $0x8910, s1;
	s31 =	sadd.s32 $0x20, s29  }
0x113: {  	[hbm4b:s31+s4] =	stream.linear.scatter [tilespmem:s30], [sflag:$0x3], $0x80, $0x38;
	[tilespmem:$0x11000] =	vst v63  }
0x114: {  	s30 =	sadd.s32 $0x8998, s1;
	s31 =	sadd.s32 $0x30, s29  }
0x115: {  	[hbm4b:s31+s4] =	stream.linear.scatter [tilespmem:s30], [sflag:$0x3], $0x80, $0x38;
	[tilespmem:$0x11000] =	vst v63  }
0x116: {  	s30 =	sadd.s32 $0x8A20, s1;
	s31 =	sadd.s32 $0x40, s29  }
0x117: {  	[hbm4b:s31+s4] =	stream.linear.scatter [tilespmem:s30], [sflag:$0x3], $0x80, $0x38;
	[tilespmem:$0x11000] =	vst v63  }
0x118: {  	s30 =	sadd.s32 $0x8AA8, s1;
	s31 =	sadd.s32 $0x50, s29  }
0x119: {  	[hbm4b:s31+s4] =	stream.linear.scatter [tilespmem:s30], [sflag:$0x3], $0x80, $0x38;
	[tilespmem:$0x11000] =	vst v63  }
.Ltmp8:
0x11a: {  	_ = 	snop;
	(pc) =	sbr.rel @p1 .LBB2_19-.Ltmp8, $4  }
0x11b: {  	s30 =	sadd.s32 $0x8B30, s1;
	s31 =	sadd.s32 $0x60, s29  }
0x11c: {  	[hbm4b:s31+s4] =	stream.linear.scatter [tilespmem:s30], [sflag:$0x3], $0x80, $0x38;
	[tilespmem:$0x11000] =	vst v63  }
0x11d: {  	s31 =	sadd.s32 $0x8BB8, s1  }
0x11e: {  	s1 =	sadd.s32 $0x70, s29;
	s29 =	sadd.s32 $0x4000, s29;
	s30 =	smov.u32 s3  }
0x11f: {  	[hbm4b:s1+s4] =	stream.linear.scatter [tilespmem:s31], [sflag:$0x3], $0x80, $0x38;
	[tilespmem:$0x11000] =	vst v63  }
0x120: {  	s30 =	sadd.s32 $0x8800, s28  }
0x121: {  	[hbm4b:s29+s4] =	stream.linear.scatter [tilespmem:s30], [sflag:$0x3], $0x80, $0x38;
	[tilespmem:$0x11000] =	vst v63  }
0x122: {  	s31 =	sadd.s32 $0x8888, s28;
	s3 =	sadd.s32 $0x10, s29  }
0x123: {  	[hbm4b:s3+s4] =	stream.linear.scatter [tilespmem:s31], [sflag:$0x3], $0x80, $0x38;
	[tilespmem:$0x11000] =	vst v63  }
0x124: {  	s30 =	sadd.s32 $0x8910, s28;
	s31 =	sadd.s32 $0x20, s29  }
0x125: {  	[hbm4b:s31+s4] =	stream.linear.scatter [tilespmem:s30], [sflag:$0x3], $0x80, $0x38;
	[tilespmem:$0x11000] =	vst v63  }
0x126: {  	s30 =	sadd.s32 $0x8998, s28;
	s31 =	sadd.s32 $0x30, s29  }
0x127: {  	[hbm4b:s31+s4] =	stream.linear.scatter [tilespmem:s30], [sflag:$0x3], $0x80, $0x38;
	[tilespmem:$0x11000] =	vst v63  }
0x128: {  	s30 =	sadd.s32 $0x8A20, s28;
	s31 =	sadd.s32 $0x40, s29  }
0x129: {  	[hbm4b:s31+s4] =	stream.linear.scatter [tilespmem:s30], [sflag:$0x3], $0x80, $0x38;
	[tilespmem:$0x11000] =	vst v63  }
0x12a: {  	p1 =	sne.s32 s23, $0x31;
	s30 =	sadd.s32 $0x8AA8, s28;
	s31 =	sadd.s32 $0x50, s29  }
0x12b: {  	[hbm4b:s31+s4] =	stream.linear.scatter [tilespmem:s30], [sflag:$0x3], $0x80, $0x38;
	[tilespmem:$0x11000] =	vst v63  }
.Ltmp9:
0x12c: {  	_ = 	snop;
	(pc) =	sbr.rel @p1 .LBB2_22-.Ltmp9, $4  }
0x12d: {  	s30 =	sadd.s32 $0x8B30, s28;
	s31 =	sadd.s32 $0x60, s29  }
0x12e: {  	[hbm4b:s31+s4] =	stream.linear.scatter [tilespmem:s30], [sflag:$0x3], $0x80, $0x38;
	[tilespmem:$0x11000] =	vst v63  }
0x12f: {  	s30 =	sadd.s32 $0x8BB8, s28;
	s31 =	sadd.s32 $0x70, s29  }
0x130: {  	[hbm4b:s31+s4] =	stream.linear.scatter [tilespmem:s30], [sflag:$0x3], $0x80, $0x38;
	[tilespmem:$0x11000] =	vst v63  }
.Ltmp10:
0x131: {  	_ =	swait.ge [sflag:s18], $0x4000;
	(pc) =	sbr.rel .LBB2_23-.Ltmp10, $3  }
0x132: {  	v17 =	vld [tilespmem:$0x1FF80];
	_ =	sdelay $0x1  }
0x133: {  	[sflag:s18] =	ssyncset.done $0x0  }
0x134: {  	[sflag:s18] =	ssyncadd.s32 $0xFFFFC000  }
.LBB2_22:
0x135: {  	s1 =	sadd.s32 $0x40, s26  }
0x136: {  	s3 =	sshll.u32 s1, $0x7;
	s1 =	sor.u32 s5, s1  }
0x137: {  	s3 =	sand.u32 $0xFC000, s3;
	s1 =	sshll.u32 s1, $0x7  }
0x138: {  	s1 =	sand.u32 $0x2F80, s1;
	s3 =	sadd.s32 s0, s3  }
0x139: {  	s1 =	sadd.s32 s1, s3  }
0x13a: {  	[tilespmem:s4], [sflag:$0x5] =	stream.linear.gather [hbm4b:s1+s4], $0x400, $0x38;
	[tilespmem:$0x11000] =	vst v63  }
0x13b: {  	_ =	swait.ge [sflag:s11], $0x400  }
0x13c: {  	[sflag:s11] =	ssyncset.done $0x0  }
0x13d: {  	[sflag:s11] =	ssyncadd.s32 $0xFFFFFC00  }
0x13e: {  	[tilespmem:s13], [sflag:$0x1] =	stream.indirect.gather [hbm4b:s6+s12], $0x10, s4, s12, $0xb8;
	[tilespmem:$0x11000] =	vst v63  }
.Ltmp11:
0x13f: {  	_ =	swait.ge [sflag:s18], $0x4000;
	(pc) =	sbr.rel @p0 .LBB2_24-.Ltmp11, $3  }
0x140: {  	v17 =	vld [tilespmem:$0x1FF80];
	_ =	sdelay $0x1  }
0x141: {  	[sflag:s18] =	ssyncset.done $0x0  }
0x142: {  	[sflag:s18] =	ssyncadd.s32 $0xFFFFC000  }
.LBB2_23:
0x143: {  	_ =	swait.ge [sflag:s19], $0x4000  }
0x144: {  	[sflag:s19] =	ssyncset.done $0x0  }
0x145: {  	[sflag:s19] =	ssyncadd.s32 $0xFFFFC000  }
.LBB2_24:
0x146: {  	v12 =	vimm.s32 $0x0;
	s1 =	simm.s32 $0x4840  }
0x147: {  	v3 =	vld [tilespmem:s1+$0x0];
	v5 =	vadd.s32 v21, v12  }
0x148: {  	v7 =	vld [tilespmem:s1+$0xFFFFFFC0];
	v8 =	vadd.s32 v17, v12;
	_ =	sdelay $0x1  }
0x149: {  	v18 =	vld [tilespmem:$0x1FE50]  }
0x14a: {  	v24 =	vld [tilespmem:$0x1FE70]  }
0x14b: {  	[tilespmem:v5+s20+$0x0] =	vst.idx.msk $0xffff, v3  }
0x14c: {  	v10 =	vld [tilespmem:s1+$0xFFFFFFD0];
	[tilespmem:v8+s20+$0x0] =	vst.idx.msk $0xffff, v7  }
0x14d: {  	v22 =	vld [tilespmem:$0x1FF60]  }
0x14e: {  	v11 =	vadd.s32 v18, v12;
	v19 =	vld [tilespmem:$0x1FF50]  }
0x14f: {  	v2 =	vld [tilespmem:s1+$0x30];
	v4 =	vadd.s32 v24, v12  }
0x150: {  	v0 =	vld [tilespmem:s1+$0x20];
	v5 =	vadd.s32 v23, v12  }
0x151: {  	v1 =	vld [tilespmem:s1+$0xFFFFFFF0];
	v6 =	vadd.s32 v20, v12  }
0x152: {  	v8 =	vld [tilespmem:s1+$0x10];
	v9 =	vadd.s32 v22, v12  }
0x153: {  	s28 =	simm.s32 $0x0;
	s29 =	simm.s32 $0x48C0;
	v7 =	vadd.s32 $0x8, v12;
	[tilespmem:v11+s20+$0x0] =	vst.idx.msk $0xffff, v10;
	v10 =	vld [tilespmem:s1+$0xFFFFFFE0];
	v3 =	vadd.s32 v19, v12  }
.LBB2_25:
0x154: {  	v11 =	vld [tilespmem:s29+$0x0];
	v12 =	vadd.s32 v21, v7;
	s28 =	sadd.s32 $0x8, s28;
	[tilespmem:v4+s20+$0x0] =	vst.idx.msk $0xffff, v2;
	s26 =	simm.s32 $0x5070  }
0x155: {  	v14 =	vadd.s32 v17, v7;
	v13 =	vld [tilespmem:s29+$0xFFFFFFC0];
	p0 =	slt.u32 s28, $0x78;
	[tilespmem:v5+s20+$0x0] =	vst.idx.msk $0xffff, v0  }
0x156: {  	v16 =	vadd.s32 v18, v7;
	v15 =	vld [tilespmem:s29+$0xFFFFFFD0];
	[tilespmem:v6+s20+$0x0] =	vst.idx.msk $0xffff, v1  }
.Ltmp12:
0x157: {  	v4 =	vadd.s32 v24, v7;
	v2 =	vld [tilespmem:s29+$0x30];
	[tilespmem:v9+s20+$0x0] =	vst.idx.msk $0xffff, v8;
	(pc) =	sbr.rel @p0 .LBB2_25-.Ltmp12, $4  }
0x158: {  	v5 =	vadd.s32 v23, v7;
	v0 =	vld [tilespmem:s29+$0x20];
	[tilespmem:v3+s20+$0x0] =	vst.idx.msk $0xffff, v10  }
0x159: {  	v6 =	vadd.s32 v20, v7;
	v1 =	vld [tilespmem:s29+$0xFFFFFFF0];
	[tilespmem:v12+s20+$0x0] =	vst.idx.msk $0xffff, v11  }
0x15a: {  	v9 =	vadd.s32 v22, v7;
	v3 =	vadd.s32 v19, v7;
	[tilespmem:v14+s20+$0x0] =	vst.idx.msk $0xffff, v13;
	v8 =	vld [tilespmem:s29+$0x10]  }
0x15b: {  	v7 =	vadd.s32 $0x8, v7;
	[tilespmem:v16+s20+$0x0] =	vst.idx.msk $0xffff, v15;
	v10 =	vld [tilespmem:s29+$0xFFFFFFE0];
	s29 =	sadd.s32 $0x80, s29  }
0x15c: {  	_ =	sdelay $0x3  }
0x15d: {  	[tilespmem:v4+s20+$0x0] =	vst.idx.msk $0xffff, v2  }
0x15e: {  	[tilespmem:v5+s20+$0x0] =	vst.idx.msk $0xffff, v0  }
0x15f: {  	[tilespmem:v6+s20+$0x0] =	vst.idx.msk $0xffff, v1  }
0x160: {  	[tilespmem:v9+s20+$0x0] =	vst.idx.msk $0xffff, v8  }
0x161: {  	[tilespmem:v3+s20+$0x0] =	vst.idx.msk $0xffff, v10  }
0x162: {  	v21 =	vld [tilespmem:$0x1FEB0];
	_ =	sdelay $0x1  }
0x163: {  	v24 =	vld [tilespmem:$0x1FF70];
	_ =	sdelay $0x1  }
0x164: {  	v12 =	vimm.s32 $0x0  }
0x165: {  	v3 =	vld [tilespmem:s26+$0xFFFFFFD0];
	v5 =	vadd.s32 v21, v12;
	_ =	sdelay $0x1  }
0x166: {  	v7 =	vld [tilespmem:s26+$0xFFFFFF90];
	v8 =	vadd.s32 v24, v12  }
0x167: {  	v9 =	vld [tilespmem:s26+$0xFFFFFFA0]  }
0x168: {  	v17 =	vld [tilespmem:$0x1FE80]  }
0x169: {  	v19 =	vld [tilespmem:$0x1FEE0];
	[tilespmem:v5+s20+$0x0] =	vst.idx.msk $0xffff, v3  }
0x16a: {  	v22 =	vld [tilespmem:$0x1FED0]  }
0x16b: {  	v20 =	vld [tilespmem:$0x1FEA0];
	[tilespmem:v8+s20+$0x0] =	vst.idx.msk $0xffff, v7  }
0x16c: {  	v23 =	vld [tilespmem:$0x1FEC0]  }
0x16d: {  	v11 =	vadd.s32 v17, v12;
	v18 =	vld [tilespmem:$0x1FE90]  }
0x16e: {  	v2 =	vld [tilespmem:s26+$0x0];
	v4 =	vadd.s32 v19, v12  }
0x16f: {  	v0 =	vld [tilespmem:s26+$0xFFFFFFF0];
	v5 =	vadd.s32 v22, v12  }
0x170: {  	v1 =	vld [tilespmem:s26+$0xFFFFFFC0];
	v6 =	vadd.s32 v20, v12  }
0x171: {  	v8 =	vld [tilespmem:s26+$0xFFFFFFE0];
	v10 =	vadd.s32 v23, v12  }
0x172: {  	s28 =	simm.s32 $0x0;
	s29 =	simm.s32 $0x50F0;
	v7 =	vadd.s32 $0x8, v12;
	[tilespmem:v11+s20+$0x0] =	vst.idx.msk $0xffff, v9;
	v9 =	vld [tilespmem:s26+$0xFFFFFFB0];
	v3 =	vadd.s32 v18, v12  }
.LBB2_27:
0x173: {  	v11 =	vld [tilespmem:s29+$0xFFFFFFD0];
	v12 =	vadd.s32 v21, v7;
	s28 =	sadd.s32 $0x8, s28;
	[tilespmem:v4+s20+$0x0] =	vst.idx.msk $0xffff, v2;
	s26 =	simm.s32 $0x5870  }
0x174: {  	v14 =	vadd.s32 v24, v7;
	v13 =	vld [tilespmem:s29+$0xFFFFFF90];
	p0 =	slt.u32 s28, $0x78;
	[tilespmem:v5+s20+$0x0] =	vst.idx.msk $0xffff, v0  }
0x175: {  	v16 =	vadd.s32 v17, v7;
	v15 =	vld [tilespmem:s29+$0xFFFFFFA0];
	[tilespmem:v6+s20+$0x0] =	vst.idx.msk $0xffff, v1  }
.Ltmp13:
0x176: {  	v4 =	vadd.s32 v19, v7;
	v2 =	vld [tilespmem:s29+$0x0];
	[tilespmem:v10+s20+$0x0] =	vst.idx.msk $0xffff, v8;
	(pc) =	sbr.rel @p0 .LBB2_27-.Ltmp13, $4  }
0x177: {  	v5 =	vadd.s32 v22, v7;
	v0 =	vld [tilespmem:s29+$0xFFFFFFF0];
	[tilespmem:v3+s20+$0x0] =	vst.idx.msk $0xffff, v9  }
0x178: {  	v6 =	vadd.s32 v20, v7;
	v1 =	vld [tilespmem:s29+$0xFFFFFFC0];
	[tilespmem:v12+s20+$0x0] =	vst.idx.msk $0xffff, v11  }
0x179: {  	v10 =	vadd.s32 v23, v7;
	v3 =	vadd.s32 v18, v7;
	[tilespmem:v14+s20+$0x0] =	vst.idx.msk $0xffff, v13;
	v8 =	vld [tilespmem:s29+$0xFFFFFFE0]  }
0x17a: {  	v7 =	vadd.s32 $0x8, v7;
	[tilespmem:v16+s20+$0x0] =	vst.idx.msk $0xffff, v15;
	v9 =	vld [tilespmem:s29+$0xFFFFFFB0];
	s29 =	sadd.s32 $0x80, s29  }
0x17b: {  	_ =	sdelay $0x3  }
0x17c: {  	[tilespmem:v4+s20+$0x0] =	vst.idx.msk $0xffff, v2  }
0x17d: {  	[tilespmem:v5+s20+$0x0] =	vst.idx.msk $0xffff, v0  }
0x17e: {  	[tilespmem:v6+s20+$0x0] =	vst.idx.msk $0xffff, v1  }
0x17f: {  	[tilespmem:v10+s20+$0x0] =	vst.idx.msk $0xffff, v8  }
0x180: {  	[tilespmem:v3+s20+$0x0] =	vst.idx.msk $0xffff, v9  }
0x181: {  	v22 =	vld [tilespmem:$0x1FF00]  }
0x182: {  	v17 =	vld [tilespmem:$0x1FFB0];
	_ =	sdelay $0x2  }
0x183: {  	v12 =	vimm.s32 $0x0;
	v3 =	vld [tilespmem:s26+$0xFFFFFFD0]  }
0x184: {  	v7 =	vld [tilespmem:s26+$0xFFFFFF90];
	v5 =	vadd.s32 v22, v12  }
0x185: {  	v19 =	vld [tilespmem:$0x1FFC0];
	v8 =	vadd.s32 v17, v12;
	_ =	sdelay $0x1  }
0x186: {  	v10 =	vld [tilespmem:s26+$0xFFFFFFA0]  }
0x187: {  	v2 =	vld [tilespmem:s26+$0x0]  }
0x188: {  	v0 =	vld [tilespmem:s26+$0xFFFFFFF0];
	[tilespmem:v5+s20+$0x0] =	vst.idx.msk $0xffff, v3  }
0x189: {  	v11 =	vadd.s32 v19, v12;
	v27 =	vld [tilespmem:$0x1FEF0];
	[tilespmem:v8+s20+$0x0] =	vst.idx.msk $0xffff, v7  }
0x18a: {  	v20 =	vmovc v26;
	v4 =	vadd.s32 v26, v12;
	v26 =	vmov v25;
	v5 =	vadd.s32 v25, v12;
	v25 =	vld [tilespmem:$0x1FF10]  }
0x18b: {  	v23 =	vld [tilespmem:$0x1FFD0]  }
0x18c: {  	v1 =	vld [tilespmem:s26+$0xFFFFFFC0]  }
0x18d: {  	v8 =	vld [tilespmem:s26+$0xFFFFFFE0]  }
0x18e: {  	[tilespmem:v11+s20+$0x0] =	vst.idx.msk $0xffff, v10;
	v10 =	vld [tilespmem:s26+$0xFFFFFFB0];
	v6 =	vadd.s32 v27, v12  }
0x18f: {  	v18 =	vld [tilespmem:$0x1FF50];
	v9 =	vadd.s32 v25, v12  }
0x190: {  	s28 =	simm.s32 $0x0;
	s29 =	simm.s32 $0x58F0;
	v7 =	vadd.s32 $0x8, v12;
	v21 =	vld [tilespmem:$0x1FF60];
	v3 =	vadd.s32 v23, v12  }
.LBB2_29:
0x191: {  	v11 =	vld [tilespmem:s29+$0xFFFFFFD0];
	v12 =	vadd.s32 v22, v7;
	s28 =	sadd.s32 $0x8, s28;
	[tilespmem:v4+s20+$0x0] =	vst.idx.msk $0xffff, v2;
	s26 =	simm.s32 $0x6070  }
0x192: {  	v14 =	vadd.s32 v17, v7;
	v13 =	vld [tilespmem:s29+$0xFFFFFF90];
	p0 =	slt.u32 s28, $0x78;
	[tilespmem:v5+s20+$0x0] =	vst.idx.msk $0xffff, v0  }
0x193: {  	v16 =	vadd.s32 v19, v7;
	v15 =	vld [tilespmem:s29+$0xFFFFFFA0];
	[tilespmem:v6+s20+$0x0] =	vst.idx.msk $0xffff, v1  }
.Ltmp14:
0x194: {  	v4 =	vadd.s32 v20, v7;
	v2 =	vld [tilespmem:s29+$0x0];
	[tilespmem:v9+s20+$0x0] =	vst.idx.msk $0xffff, v8;
	(pc) =	sbr.rel @p0 .LBB2_29-.Ltmp14, $4  }
0x195: {  	v5 =	vadd.s32 v26, v7;
	v0 =	vld [tilespmem:s29+$0xFFFFFFF0];
	[tilespmem:v3+s20+$0x0] =	vst.idx.msk $0xffff, v10  }
0x196: {  	v6 =	vadd.s32 v27, v7;
	v1 =	vld [tilespmem:s29+$0xFFFFFFC0];
	[tilespmem:v12+s20+$0x0] =	vst.idx.msk $0xffff, v11  }
0x197: {  	v9 =	vadd.s32 v25, v7;
	v3 =	vadd.s32 v23, v7;
	[tilespmem:v14+s20+$0x0] =	vst.idx.msk $0xffff, v13;
	v8 =	vld [tilespmem:s29+$0xFFFFFFE0]  }
0x198: {  	v7 =	vadd.s32 $0x8, v7;
	[tilespmem:v16+s20+$0x0] =	vst.idx.msk $0xffff, v15;
	v10 =	vld [tilespmem:s29+$0xFFFFFFB0];
	s29 =	sadd.s32 $0x80, s29  }
0x199: {  	_ =	sdelay $0x3  }
0x19a: {  	[tilespmem:v4+s20+$0x0] =	vst.idx.msk $0xffff, v2  }
0x19b: {  	[tilespmem:v5+s20+$0x0] =	vst.idx.msk $0xffff, v0  }
0x19c: {  	[tilespmem:v6+s20+$0x0] =	vst.idx.msk $0xffff, v1  }
0x19d: {  	[tilespmem:v9+s20+$0x0] =	vst.idx.msk $0xffff, v8  }
0x19e: {  	[tilespmem:v3+s20+$0x0] =	vst.idx.msk $0xffff, v10  }
0x19f: {  	v27 =	vld [tilespmem:$0x1FFE0];
	_ =	sdelay $0x1  }
0x1a0: {  	v12 =	vimm.s32 $0x0  }
0x1a1: {  	v5 =	vadd.s32 v28, v12;
	v3 =	vld [tilespmem:s26+$0xFFFFFFD0];
	_ =	sdelay $0x1  }
0x1a2: {  	v7 =	vld [tilespmem:s26+$0xFFFFFF90];
	v8 =	vadd.s32 v27, v12  }
0x1a3: {  	v25 =	vmov v26;
	v26 =	vld [tilespmem:$0x1FF20];
	_ =	sdelay $0x1  }
0x1a4: {  	[tilespmem:v5+s20+$0x0] =	vst.idx.msk $0xffff, v3  }
0x1a5: {  	v20 =	vld [tilespmem:$0x1FF40]  }
0x1a6: {  	v9 =	vld [tilespmem:s26+$0xFFFFFFA0];
	[tilespmem:v8+s20+$0x0] =	vst.idx.msk $0xffff, v7  }
0x1a7: {  	v11 =	vadd.s32 v26, v12;
	v22 =	vld [tilespmem:$0x1FF30]  }
0x1a8: {  	v4 =	vadd.s32 v31, v12;
	v2 =	vld [tilespmem:s26+$0x0]  }
0x1a9: {  	v0 =	vld [tilespmem:s26+$0xFFFFFFF0];
	v5 =	vadd.s32 v30, v12  }
0x1aa: {  	v1 =	vld [tilespmem:s26+$0xFFFFFFC0];
	v6 =	vadd.s32 v20, v12  }
0x1ab: {  	v10 =	vadd.s32 v29, v12;
	v8 =	vld [tilespmem:s26+$0xFFFFFFE0]  }
0x1ac: {  	s28 =	simm.s32 $0x0;
	s29 =	simm.s32 $0x60F0;
	v7 =	vadd.s32 $0x8, v12;
	[tilespmem:v11+s20+$0x0] =	vst.idx.msk $0xffff, v9;
	v9 =	vld [tilespmem:s26+$0xFFFFFFB0];
	v3 =	vadd.s32 v22, v12  }
.LBB2_31:
0x1ad: {  	v11 =	vld [tilespmem:s29+$0xFFFFFFD0];
	v12 =	vadd.s32 v28, v7;
	s28 =	sadd.s32 $0x8, s28;
	[tilespmem:v4+s20+$0x0] =	vst.idx.msk $0xffff, v2;
	s26 =	simm.s32 $0x6870  }
0x1ae: {  	v14 =	vadd.s32 v27, v7;
	v13 =	vld [tilespmem:s29+$0xFFFFFF90];
	p0 =	slt.u32 s28, $0x78;
	[tilespmem:v5+s20+$0x0] =	vst.idx.msk $0xffff, v0  }
0x1af: {  	v16 =	vadd.s32 v26, v7;
	v15 =	vld [tilespmem:s29+$0xFFFFFFA0];
	[tilespmem:v6+s20+$0x0] =	vst.idx.msk $0xffff, v1  }
.Ltmp15:
0x1b0: {  	v4 =	vadd.s32 v31, v7;
	v2 =	vld [tilespmem:s29+$0x0];
	[tilespmem:v10+s20+$0x0] =	vst.idx.msk $0xffff, v8;
	(pc) =	sbr.rel @p0 .LBB2_31-.Ltmp15, $4  }
0x1b1: {  	v5 =	vadd.s32 v30, v7;
	v0 =	vld [tilespmem:s29+$0xFFFFFFF0];
	[tilespmem:v3+s20+$0x0] =	vst.idx.msk $0xffff, v9  }
0x1b2: {  	v6 =	vadd.s32 v20, v7;
	v1 =	vld [tilespmem:s29+$0xFFFFFFC0];
	[tilespmem:v12+s20+$0x0] =	vst.idx.msk $0xffff, v11  }
0x1b3: {  	v10 =	vadd.s32 v29, v7;
	v3 =	vadd.s32 v22, v7;
	[tilespmem:v14+s20+$0x0] =	vst.idx.msk $0xffff, v13;
	v8 =	vld [tilespmem:s29+$0xFFFFFFE0]  }
0x1b4: {  	v7 =	vadd.s32 $0x8, v7;
	[tilespmem:v16+s20+$0x0] =	vst.idx.msk $0xffff, v15;
	v9 =	vld [tilespmem:s29+$0xFFFFFFB0];
	s29 =	sadd.s32 $0x80, s29  }
0x1b5: {  	_ =	sdelay $0x3  }
0x1b6: {  	[tilespmem:v4+s20+$0x0] =	vst.idx.msk $0xffff, v2  }
0x1b7: {  	[tilespmem:v5+s20+$0x0] =	vst.idx.msk $0xffff, v0  }
0x1b8: {  	[tilespmem:v6+s20+$0x0] =	vst.idx.msk $0xffff, v1  }
0x1b9: {  	[tilespmem:v10+s20+$0x0] =	vst.idx.msk $0xffff, v8  }
0x1ba: {  	v20 =	vimm.s32 $0x0;
	[tilespmem:v3+s20+$0x0] =	vst.idx.msk $0xffff, v9  }
0x1bb: {  	v5 =	vadd.s32 v36, v20;
	v3 =	vld [tilespmem:s26+$0xFFFFFFD0]  }
0x1bc: {  	v8 =	vadd.s32 v32, v20;
	v7 =	vld [tilespmem:s26+$0xFFFFFF90]  }
0x1bd: {  	v11 =	vadd.s32 v33, v20;
	v10 =	vld [tilespmem:s26+$0xFFFFFFA0];
	_ =	sdelay $0x1  }
0x1be: {  	v2 =	vld [tilespmem:s26+$0x0]  }
0x1bf: {  	v4 =	vadd.s32 v39, v20;
	v0 =	vld [tilespmem:s26+$0xFFFFFFF0];
	[tilespmem:v5+s20+$0x0] =	vst.idx.msk $0xffff, v3  }
0x1c0: {  	v1 =	vld [tilespmem:s26+$0xFFFFFFC0];
	v5 =	vadd.s32 v38, v20;
	[tilespmem:v8+s20+$0x0] =	vst.idx.msk $0xffff, v7  }
0x1c1: {  	v6 =	vadd.s32 v35, v20;
	v8 =	vld [tilespmem:s26+$0xFFFFFFE0];
	[tilespmem:v11+s20+$0x0] =	vst.idx.msk $0xffff, v10  }
0x1c2: {  	v9 =	vadd.s32 v37, v20;
	v26 =	vld [tilespmem:$0x1FFF0]  }
0x1c3: {  	s28 =	simm.s32 $0x0;
	s29 =	simm.s32 $0x68F0;
	v3 =	vadd.s32 v34, v20;
	v10 =	vld [tilespmem:s26+$0xFFFFFFB0];
	v7 =	vadd.s32 $0x8, v20  }
.LBB2_33:
0x1c4: {  	v11 =	vld [tilespmem:s29+$0xFFFFFFD0];
	v12 =	vadd.s32 v36, v7;
	s28 =	sadd.s32 $0x8, s28;
	[tilespmem:v4+s20+$0x0] =	vst.idx.msk $0xffff, v2;
	s26 =	simm.s32 $0x7070  }
0x1c5: {  	v14 =	vadd.s32 v32, v7;
	v13 =	vld [tilespmem:s29+$0xFFFFFF90];
	p0 =	slt.u32 s28, $0x78;
	[tilespmem:v5+s20+$0x0] =	vst.idx.msk $0xffff, v0  }
0x1c6: {  	v16 =	vadd.s32 v33, v7;
	v15 =	vld [tilespmem:s29+$0xFFFFFFA0];
	[tilespmem:v6+s20+$0x0] =	vst.idx.msk $0xffff, v1  }
.Ltmp16:
0x1c7: {  	v4 =	vadd.s32 v39, v7;
	v2 =	vld [tilespmem:s29+$0x0];
	[tilespmem:v9+s20+$0x0] =	vst.idx.msk $0xffff, v8;
	(pc) =	sbr.rel @p0 .LBB2_33-.Ltmp16, $4  }
0x1c8: {  	v5 =	vadd.s32 v38, v7;
	v0 =	vld [tilespmem:s29+$0xFFFFFFF0];
	[tilespmem:v3+s20+$0x0] =	vst.idx.msk $0xffff, v10  }
0x1c9: {  	v6 =	vadd.s32 v35, v7;
	v1 =	vld [tilespmem:s29+$0xFFFFFFC0];
	[tilespmem:v12+s20+$0x0] =	vst.idx.msk $0xffff, v11  }
0x1ca: {  	v9 =	vadd.s32 v37, v7;
	v3 =	vadd.s32 v34, v7;
	[tilespmem:v14+s20+$0x0] =	vst.idx.msk $0xffff, v13;
	v8 =	vld [tilespmem:s29+$0xFFFFFFE0]  }
0x1cb: {  	v7 =	vadd.s32 $0x8, v7;
	[tilespmem:v16+s20+$0x0] =	vst.idx.msk $0xffff, v15;
	v10 =	vld [tilespmem:s29+$0xFFFFFFB0];
	s29 =	sadd.s32 $0x80, s29  }
0x1cc: {  	_ =	sdelay $0x3  }
0x1cd: {  	[tilespmem:v4+s20+$0x0] =	vst.idx.msk $0xffff, v2  }
0x1ce: {  	[tilespmem:v5+s20+$0x0] =	vst.idx.msk $0xffff, v0  }
0x1cf: {  	[tilespmem:v6+s20+$0x0] =	vst.idx.msk $0xffff, v1  }
0x1d0: {  	[tilespmem:v9+s20+$0x0] =	vst.idx.msk $0xffff, v8  }
0x1d1: {  	[tilespmem:v3+s20+$0x0] =	vst.idx.msk $0xffff, v10  }
0x1d2: {  	v5 =	vadd.s32 v44, v20;
	v3 =	vld [tilespmem:s26+$0xFFFFFFD0]  }
0x1d3: {  	v8 =	vadd.s32 v40, v20;
	v7 =	vld [tilespmem:s26+$0xFFFFFF90]  }
0x1d4: {  	v11 =	vadd.s32 v41, v20;
	v9 =	vld [tilespmem:s26+$0xFFFFFFA0];
	_ =	sdelay $0x2  }
0x1d5: {  	[tilespmem:v5+s20+$0x0] =	vst.idx.msk $0xffff, v3  }
0x1d6: {  	v2 =	vld [tilespmem:s26+$0x0];
	[tilespmem:v8+s20+$0x0] =	vst.idx.msk $0xffff, v7  }
0x1d7: {  	v0 =	vld [tilespmem:s26+$0xFFFFFFF0];
	[tilespmem:v11+s20+$0x0] =	vst.idx.msk $0xffff, v9  }
0x1d8: {  	v4 =	vadd.s32 v47, v20;
	v22 =	vld [tilespmem:$0x1FF90]  }
0x1d9: {  	v1 =	vld [tilespmem:s26+$0xFFFFFFC0];
	v5 =	vadd.s32 v46, v20  }
0x1da: {  	v6 =	vadd.s32 v43, v20;
	v8 =	vld [tilespmem:s26+$0xFFFFFFE0]  }
0x1db: {  	v10 =	vadd.s32 v45, v20;
	v9 =	vld [tilespmem:s26+$0xFFFFFFB0]  }
0x1dc: {  	s28 =	simm.s32 $0x0;
	s29 =	simm.s32 $0x70F0;
	v3 =	vadd.s32 v42, v20;
	v7 =	vadd.s32 $0x8, v20;
	v20 =	vld [tilespmem:$0x1FFA0]  }
.LBB2_35:
0x1dd: {  	v11 =	vld [tilespmem:s29+$0xFFFFFFD0];
	v12 =	vadd.s32 v44, v7;
	s28 =	sadd.s32 $0x8, s28;
	[tilespmem:v4+s20+$0x0] =	vst.idx.msk $0xffff, v2;
	s26 =	simm.s32 $0x7870  }
0x1de: {  	v14 =	vadd.s32 v40, v7;
	v13 =	vld [tilespmem:s29+$0xFFFFFF90];
	p0 =	slt.u32 s28, $0x78;
	[tilespmem:v5+s20+$0x0] =	vst.idx.msk $0xffff, v0  }
0x1df: {  	v16 =	vadd.s32 v41, v7;
	v15 =	vld [tilespmem:s29+$0xFFFFFFA0];
	[tilespmem:v6+s20+$0x0] =	vst.idx.msk $0xffff, v1  }
.Ltmp17:
0x1e0: {  	v4 =	vadd.s32 v47, v7;
	v2 =	vld [tilespmem:s29+$0x0];
	[tilespmem:v10+s20+$0x0] =	vst.idx.msk $0xffff, v8;
	(pc) =	sbr.rel @p0 .LBB2_35-.Ltmp17, $4  }
0x1e1: {  	v5 =	vadd.s32 v46, v7;
	v0 =	vld [tilespmem:s29+$0xFFFFFFF0];
	[tilespmem:v3+s20+$0x0] =	vst.idx.msk $0xffff, v9  }
0x1e2: {  	v6 =	vadd.s32 v43, v7;
	v1 =	vld [tilespmem:s29+$0xFFFFFFC0];
	[tilespmem:v12+s20+$0x0] =	vst.idx.msk $0xffff, v11  }
0x1e3: {  	v10 =	vadd.s32 v45, v7;
	v3 =	vadd.s32 v42, v7;
	[tilespmem:v14+s20+$0x0] =	vst.idx.msk $0xffff, v13;
	v8 =	vld [tilespmem:s29+$0xFFFFFFE0]  }
0x1e4: {  	v7 =	vadd.s32 $0x8, v7;
	[tilespmem:v16+s20+$0x0] =	vst.idx.msk $0xffff, v15;
	v9 =	vld [tilespmem:s29+$0xFFFFFFB0];
	s29 =	sadd.s32 $0x80, s29  }
0x1e5: {  	_ =	sdelay $0x3  }
0x1e6: {  	[tilespmem:v4+s20+$0x0] =	vst.idx.msk $0xffff, v2  }
0x1e7: {  	[tilespmem:v5+s20+$0x0] =	vst.idx.msk $0xffff, v0  }
0x1e8: {  	[tilespmem:v6+s20+$0x0] =	vst.idx.msk $0xffff, v1  }
0x1e9: {  	[tilespmem:v10+s20+$0x0] =	vst.idx.msk $0xffff, v8  }
0x1ea: {  	v12 =	vimm.s32 $0x0;
	[tilespmem:v3+s20+$0x0] =	vst.idx.msk $0xffff, v9  }
0x1eb: {  	v5 =	vadd.s32 v52, v12;
	v3 =	vld [tilespmem:s26+$0xFFFFFFD0];
	_ =	sdelay $0x1  }
0x1ec: {  	v8 =	vadd.s32 v48, v12;
	v7 =	vld [tilespmem:s26+$0xFFFFFF90]  }
0x1ed: {  	v11 =	vadd.s32 v49, v12;
	v10 =	vld [tilespmem:s26+$0xFFFFFFA0]  }
0x1ee: {  	v4 =	vadd.s32 v55, v12;
	v2 =	vld [tilespmem:s26+$0x0]  }
0x1ef: {  	v0 =	vld [tilespmem:s26+$0xFFFFFFF0];
	[tilespmem:v5+s20+$0x0] =	vst.idx.msk $0xffff, v3;
	v5 =	vadd.s32 v54, v12  }
0x1f0: {  	v6 =	vadd.s32 v51, v12;
	v1 =	vld [tilespmem:s26+$0xFFFFFFC0]  }
0x1f1: {  	v9 =	vadd.s32 v53, v12;
	[tilespmem:v8+s20+$0x0] =	vst.idx.msk $0xffff, v7;
	v8 =	vld [tilespmem:s26+$0xFFFFFFE0]  }
0x1f2: {  	s28 =	simm.s32 $0x0;
	s29 =	simm.s32 $0x78F0;
	v3 =	vadd.s32 v50, v12;
	[tilespmem:v11+s20+$0x0] =	vst.idx.msk $0xffff, v10;
	v10 =	vld [tilespmem:s26+$0xFFFFFFB0];
	v7 =	vadd.s32 $0x8, v12  }
.LBB2_37:
0x1f3: {  	v11 =	vld [tilespmem:s29+$0xFFFFFFD0];
	v12 =	vadd.s32 v52, v7;
	s28 =	sadd.s32 $0x8, s28;
	[tilespmem:v4+s20+$0x0] =	vst.idx.msk $0xffff, v2;
	s26 =	simm.s32 $0x8070  }
0x1f4: {  	v14 =	vadd.s32 v48, v7;
	v13 =	vld [tilespmem:s29+$0xFFFFFF90];
	p0 =	slt.u32 s28, $0x78;
	[tilespmem:v5+s20+$0x0] =	vst.idx.msk $0xffff, v0  }
0x1f5: {  	v16 =	vadd.s32 v49, v7;
	v15 =	vld [tilespmem:s29+$0xFFFFFFA0];
	[tilespmem:v6+s20+$0x0] =	vst.idx.msk $0xffff, v1  }
.Ltmp18:
0x1f6: {  	v4 =	vadd.s32 v55, v7;
	v2 =	vld [tilespmem:s29+$0x0];
	[tilespmem:v9+s20+$0x0] =	vst.idx.msk $0xffff, v8;
	(pc) =	sbr.rel @p0 .LBB2_37-.Ltmp18, $4  }
0x1f7: {  	v5 =	vadd.s32 v54, v7;
	v0 =	vld [tilespmem:s29+$0xFFFFFFF0];
	[tilespmem:v3+s20+$0x0] =	vst.idx.msk $0xffff, v10  }
0x1f8: {  	v6 =	vadd.s32 v51, v7;
	v1 =	vld [tilespmem:s29+$0xFFFFFFC0];
	[tilespmem:v12+s20+$0x0] =	vst.idx.msk $0xffff, v11  }
0x1f9: {  	v9 =	vadd.s32 v53, v7;
	v3 =	vadd.s32 v50, v7;
	[tilespmem:v14+s20+$0x0] =	vst.idx.msk $0xffff, v13;
	v8 =	vld [tilespmem:s29+$0xFFFFFFE0]  }
0x1fa: {  	v7 =	vadd.s32 $0x8, v7;
	[tilespmem:v16+s20+$0x0] =	vst.idx.msk $0xffff, v15;
	v10 =	vld [tilespmem:s29+$0xFFFFFFB0];
	s29 =	sadd.s32 $0x80, s29  }
0x1fb: {  	_ =	sdelay $0x3  }
0x1fc: {  	[tilespmem:v4+s20+$0x0] =	vst.idx.msk $0xffff, v2  }
0x1fd: {  	[tilespmem:v5+s20+$0x0] =	vst.idx.msk $0xffff, v0  }
0x1fe: {  	[tilespmem:v6+s20+$0x0] =	vst.idx.msk $0xffff, v1  }
0x1ff: {  	[tilespmem:v9+s20+$0x0] =	vst.idx.msk $0xffff, v8  }
0x200: {  	v12 =	vimm.s32 $0x0;
	[tilespmem:v3+s20+$0x0] =	vst.idx.msk $0xffff, v10  }
0x201: {  	v5 =	vadd.s32 v60, v12;
	v2 =	vld [tilespmem:s26+$0xFFFFFFD0]  }
0x202: {  	v8 =	vadd.s32 v56, v12;
	v7 =	vld [tilespmem:s26+$0xFFFFFF90]  }
0x203: {  	v11 =	vadd.s32 v57, v12;
	v9 =	vld [tilespmem:s26+$0xFFFFFFA0]  }
0x204: {  	v4 =	vadd.s32 v63, v12;
	v3 =	vld [tilespmem:s26+$0x0]  }
0x205: {  	v6 =	vadd.s32 v62, v12;
	v0 =	vld [tilespmem:s26+$0xFFFFFFF0]  }
0x206: {  	v1 =	vld [tilespmem:s26+$0xFFFFFFC0];
	[tilespmem:v5+s20+$0x0] =	vst.idx.msk $0xffff, v2;
	v5 =	vadd.s32 v59, v12  }
0x207: {  	v10 =	vadd.s32 v61, v12;
	[tilespmem:v8+s20+$0x0] =	vst.idx.msk $0xffff, v7;
	v7 =	vld [tilespmem:s26+$0xFFFFFFE0]  }
0x208: {  	s28 =	simm.s32 $0x0;
	v2 =	vadd.s32 v58, v12;
	[tilespmem:v11+s20+$0x0] =	vst.idx.msk $0xffff, v9;
	v9 =	vld [tilespmem:s26+$0xFFFFFFB0];
	v8 =	vadd.s32 $0x8, v12;
	s26 =	simm.s32 $0x80F0  }
.LBB2_39:
0x209: {  	v11 =	vld [tilespmem:s26+$0xFFFFFFD0];
	v12 =	vadd.s32 v60, v8;
	s28 =	sadd.s32 $0x8, s28;
	[tilespmem:v4+s20+$0x0] =	vst.idx.msk $0xffff, v3  }
0x20a: {  	v14 =	vadd.s32 v56, v8;
	v13 =	vld [tilespmem:s26+$0xFFFFFF90];
	p0 =	slt.u32 s28, $0x78;
	[tilespmem:v6+s20+$0x0] =	vst.idx.msk $0xffff, v0  }
0x20b: {  	v16 =	vadd.s32 v57, v8;
	v15 =	vld [tilespmem:s26+$0xFFFFFFA0];
	[tilespmem:v5+s20+$0x0] =	vst.idx.msk $0xffff, v1  }
.Ltmp19:
0x20c: {  	v4 =	vadd.s32 v63, v8;
	v3 =	vld [tilespmem:s26+$0x0];
	[tilespmem:v10+s20+$0x0] =	vst.idx.msk $0xffff, v7;
	(pc) =	sbr.rel @p0 .LBB2_39-.Ltmp19, $4  }
0x20d: {  	v6 =	vadd.s32 v62, v8;
	v0 =	vld [tilespmem:s26+$0xFFFFFFF0];
	[tilespmem:v2+s20+$0x0] =	vst.idx.msk $0xffff, v9  }
0x20e: {  	v5 =	vadd.s32 v59, v8;
	v1 =	vld [tilespmem:s26+$0xFFFFFFC0];
	[tilespmem:v12+s20+$0x0] =	vst.idx.msk $0xffff, v11  }
0x20f: {  	v10 =	vadd.s32 v61, v8;
	v2 =	vadd.s32 v58, v8;
	[tilespmem:v14+s20+$0x0] =	vst.idx.msk $0xffff, v13;
	v7 =	vld [tilespmem:s26+$0xFFFFFFE0]  }
0x210: {  	v8 =	vadd.s32 $0x8, v8;
	[tilespmem:v16+s20+$0x0] =	vst.idx.msk $0xffff, v15;
	v9 =	vld [tilespmem:s26+$0xFFFFFFB0];
	s26 =	sadd.s32 $0x80, s26  }
0x211: {  	_ =	sdelay $0x3  }
0x212: {  	[tilespmem:v4+s20+$0x0] =	vst.idx.msk $0xffff, v3  }
0x213: {  	s1 =	sshll.u32 s24, $0x15;
	[tilespmem:v6+s20+$0x0] =	vst.idx.msk $0xffff, v0  }
0x214: {  	s1 =	sor.u32 s1, s25;
	[tilespmem:v5+s20+$0x0] =	vst.idx.msk $0xffff, v1  }
0x215: {  	s1 =	sshrl.u32 s1, $0x3;
	[tilespmem:v10+s20+$0x0] =	vst.idx.msk $0xffff, v7  }
0x216: {  	s31 =	simm.s32 $0xCC00;
	s3 =	sadd.s32 s2, s1;
	[tilespmem:v2+s20+$0x0] =	vst.idx.msk $0xffff, v9  }
0x217: {  	[hbm4b:s3+s4] =	stream.linear.scatter [tilespmem:s31], [sflag:$0x4], $0x80, $0x38;
	[tilespmem:$0x11000] =	vst v63  }
0x218: {  	s24 =	simm.s32 $0xCC88;
	s25 =	sadd.s32 $0x10, s3  }
0x219: {  	[hbm4b:s25+s4] =	stream.linear.scatter [tilespmem:s24], [sflag:$0x4], $0x80, $0x38;
	[tilespmem:$0x11000] =	vst v63  }
0x21a: {  	s26 =	simm.s32 $0xCD10;
	s30 =	simm.s32 $0xCD98;
	s29 =	sadd.s32 $0x20, s3  }
0x21b: {  	[hbm4b:s29+s4] =	stream.linear.scatter [tilespmem:s26], [sflag:$0x4], $0x80, $0x38;
	[tilespmem:$0x11000] =	vst v63  }
0x21c: {  	s28 =	simm.s32 $0xCFB8;
	s1 =	sadd.s32 $0x70, s3;
	s31 =	sadd.s32 $0x30, s3  }
0x21d: {  	[hbm4b:s31+s4] =	stream.linear.scatter [tilespmem:s30], [sflag:$0x4], $0x80, $0x38;
	[tilespmem:$0x11000] =	vst v63  }
0x21e: {  	s24 =	simm.s32 $0xCE20;
	s25 =	sadd.s32 $0x40, s3;
	s26 =	simm.s32 $0xCEA8  }
0x21f: {  	[hbm4b:s25+s4] =	stream.linear.scatter [tilespmem:s24], [sflag:$0x4], $0x80, $0x38;
	[tilespmem:$0x11000] =	vst v63  }
0x220: {  	s29 =	sadd.s32 $0x50, s3;
	s30 =	simm.s32 $0xCF30;
	s31 =	sadd.s32 $0x60, s3  }
0x221: {  	[hbm4b:s29+s4] =	stream.linear.scatter [tilespmem:s26], [sflag:$0x4], $0x80, $0x38;
	[tilespmem:$0x11000] =	vst v63  }
0x222: {  	s24 =	simm.s32 $0x440;
	s25 =	sadd.s32 $0x4000, s3;
	s26 =	simm.s32 $0x2200  }
0x223: {  	[hbm4b:s31+s4] =	stream.linear.scatter [tilespmem:s30], [sflag:$0x4], $0x80, $0x38;
	[tilespmem:$0x11000] =	vst v63  }
.LBB2_41:
0x224: {  	[hbm4b:s1+s4] =	stream.linear.scatter [tilespmem:s28], [sflag:$0x4], $0x80, $0x38;
	[tilespmem:$0x11000] =	vst v63  }
0x225: {  	s1 =	smov.u32 s24;
	s3 =	smov.u32 s26  }
0x226: {  	s24 =	sshra.s32 s3, $0x2;
	s3 =	sadd.s32 $0x1100, s26;
	s28 =	sadd.s32 $0xCC00, s1  }
0x227: {  	[hbm4b:s25+s4] =	stream.linear.scatter [tilespmem:s28], [sflag:$0x4], $0x80, $0x38;
	[tilespmem:$0x11000] =	vst v63  }
0x228: {  	p0 =	sne.s32 s26, $0xFF00;
	s26 =	sadd.s32 $0xCC88, s1;
	s28 =	sadd.s32 $0x10, s25  }
0x229: {  	[hbm4b:s28+s4] =	stream.linear.scatter [tilespmem:s26], [sflag:$0x4], $0x80, $0x38;
	[tilespmem:$0x11000] =	vst v63  }
0x22a: {  	s26 =	sadd.s32 $0xCD10, s1;
	s28 =	sadd.s32 $0x20, s25  }
0x22b: {  	[hbm4b:s28+s4] =	stream.linear.scatter [tilespmem:s26], [sflag:$0x4], $0x80, $0x38;
	[tilespmem:$0x11000] =	vst v63  }
0x22c: {  	s26 =	sadd.s32 $0xCD98, s1;
	s28 =	sadd.s32 $0x30, s25  }
0x22d: {  	[hbm4b:s28+s4] =	stream.linear.scatter [tilespmem:s26], [sflag:$0x4], $0x80, $0x38;
	[tilespmem:$0x11000] =	vst v63  }
0x22e: {  	s26 =	sadd.s32 $0xCE20, s1;
	s28 =	sadd.s32 $0x40, s25  }
0x22f: {  	[hbm4b:s28+s4] =	stream.linear.scatter [tilespmem:s26], [sflag:$0x4], $0x80, $0x38;
	[tilespmem:$0x11000] =	vst v63  }
0x230: {  	s26 =	sadd.s32 $0xCEA8, s1;
	s28 =	sadd.s32 $0x50, s25  }
0x231: {  	[hbm4b:s28+s4] =	stream.linear.scatter [tilespmem:s26], [sflag:$0x4], $0x80, $0x38;
	[tilespmem:$0x11000] =	vst v63  }
.Ltmp20:
0x232: {  	_ = 	snop;
	(pc) =	sbr.rel @p0 .LBB2_41-.Ltmp20, $4  }
0x233: {  	s26 =	sadd.s32 $0xCF30, s1;
	s28 =	sadd.s32 $0x60, s25  }
0x234: {  	[hbm4b:s28+s4] =	stream.linear.scatter [tilespmem:s26], [sflag:$0x4], $0x80, $0x38;
	[tilespmem:$0x11000] =	vst v63  }
0x235: {  	s28 =	sadd.s32 $0xCFB8, s1  }
0x236: {  	s1 =	sadd.s32 $0x70, s25;
	s25 =	sadd.s32 $0x4000, s25;
	s26 =	smov.u32 s3  }
0x237: {  	[hbm4b:s1+s4] =	stream.linear.scatter [tilespmem:s28], [sflag:$0x4], $0x80, $0x38;
	[tilespmem:$0x11000] =	vst v63  }
0x238: {  	s30 =	sadd.s32 $0xCC00, s24  }
0x239: {  	[hbm4b:s25+s4] =	stream.linear.scatter [tilespmem:s30], [sflag:$0x4], $0x80, $0x38;
	[tilespmem:$0x11000] =	vst v63  }
0x23a: {  	s31 =	sadd.s32 $0xCC88, s24;
	s3 =	sadd.s32 $0x10, s25  }
0x23b: {  	[hbm4b:s3+s4] =	stream.linear.scatter [tilespmem:s31], [sflag:$0x4], $0x80, $0x38;
	[tilespmem:$0x11000] =	vst v63  }
0x23c: {  	s26 =	sadd.s32 $0x20, s25;
	s3 =	sadd.s32 $0xCD10, s24  }
0x23d: {  	[hbm4b:s26+s4] =	stream.linear.scatter [tilespmem:s3], [sflag:$0x4], $0x80, $0x38;
	[tilespmem:$0x11000] =	vst v63  }
0x23e: {  	s28 =	sadd.s32 $0xCD98, s24;
	s29 =	sadd.s32 $0x30, s25  }
0x23f: {  	[hbm4b:s29+s4] =	stream.linear.scatter [tilespmem:s28], [sflag:$0x4], $0x80, $0x38;
	[tilespmem:$0x11000] =	vst v63  }
0x240: {  	s23 =	sadd.s32 $0x1, s23;
	s30 =	sadd.s32 $0xCE20, s24;
	s31 =	sadd.s32 $0x40, s25  }
0x241: {  	[hbm4b:s31+s4] =	stream.linear.scatter [tilespmem:s30], [sflag:$0x4], $0x80, $0x38;
	[tilespmem:$0x11000] =	vst v63  }
0x242: {  	p0 =	sne.s32 s23, $0x32;
	s3 =	sadd.s32 $0xCEA8, s24;
	s26 =	sadd.s32 $0x50, s25  }
0x243: {  	[hbm4b:s26+s4] =	stream.linear.scatter [tilespmem:s3], [sflag:$0x4], $0x80, $0x38;
	[tilespmem:$0x11000] =	vst v63  }
.Ltmp21:
0x244: {  	_ = 	snop;
	(pc) =	sbr.rel @p0 .LBB2_2-.Ltmp21, $4  }
0x245: {  	v16 =	vld [tilespmem:$0x1FF80];
	s28 =	sadd.s32 $0xCF30, s24;
	s29 =	sadd.s32 $0x60, s25  }
0x246: {  	[hbm4b:s29+s4] =	stream.linear.scatter [tilespmem:s28], [sflag:$0x4], $0x80, $0x38;
	[tilespmem:$0x11000] =	vst v63  }
0x247: {  	s30 =	sadd.s32 $0xCFB8, s24;
	s31 =	sadd.s32 $0x70, s25  }
0x248: {  	[hbm4b:s31+s4] =	stream.linear.scatter [tilespmem:s30], [sflag:$0x4], $0x80, $0x38;
	[tilespmem:$0x11000] =	vst v63  }
0x249: {  	s22 =	sadd.s32 $0x1, s22  }
0x24a: {  	_ =	swait.ge [sflag:s21], $0x4000;
	p0 =	sne.s32 s22, s10  }
.Ltmp22:
0x24b: {  	[sflag:s21] =	ssyncset.done $0x0;
	(pc) =	sbr.rel @p0 .LBB2_1-.Ltmp22, $4  }
0x24c: {  	[sflag:s21] =	ssyncadd.s32 $0xFFFFC000  }
0x24d: {  	_ =	swait.ge [sflag:s19], $0x4000  }
0x24e: {  	[sflag:s19] =	ssyncset.done $0x0  }
0x24f: {  	[sflag:s19] =	ssyncadd.s32 $0xFFFFC000  }
0x250: {  	_ =	sfence.sel $0x180000  }
0x251: {  	[bflag:$0x0] =	sbarrier.arrive $0xFFFF  }
0x252: {  	_ =	strace $0x9000004A  }
0x253: {  	s0 =	stileid.u32;
	[bflag:$0x2] =	sbarrier.arrive $0xFFFF  }
0x254: {  	p0 =	sne.s32 s0, $0x0;
	s0 =	rddreg [dreg:$0x3]  }
0x255: {  	s0 =	sadd.s32 @!p0 $0x100000, s0  }
0x256: {  	[sflag:s0] =	ssyncadd.tile.s32 @!p0 $0x1;
	_ =	shalt  }
.Lfunc_end2:
_tile_overlayer_lowered:
.L_overlay_start_2:
0x257: {  	(tag) =	ssettag $0x2  }
0x258: {  	s0 =	rddreg [dreg:$0x0];
	s2 =	stileid.u32  }
0x259: {  	s1 =	rddreg [dreg:$0x1];
	p0 =	sne.s32 s2, $0x0  }
0x25a: {  	s3 =	rddreg [dreg:$0x2];
	[bflag:$0x3] =	sbarrier.arrive $0xFFFF;
	s2 =	simm.s32 @!p0 $0x1C07  }
0x25b: {  	[timem:s3], [sflag:s2] =	dma.local @!p0 [hbm:s0], s1  }
0x25c: {  	s0 =	simm.s32 @!p0 $0x7  }
0x25d: {  	_ =	swait.ge @!p0 [sflag:s0], s1  }
0x25e: {  	s1 =	ssub.s32 @!p0 $0x0, s1;
	[sflag:s0] =	ssyncset.done @!p0 $0x0  }
0x25f: {  	[sflag:s0] =	ssyncadd.s32 @!p0 s1  }
0x260: {  	[bflag:$0x3] =	sbarrier.arrive $0xFFFF  }
0x261: {  	_ =	shalt  }

</sc_bundles>
